<compile_context>
chip_gen: v7x
topology: tpu7x:2x2x1
jax: 0.10.2.dev20260603
libtpu: 0.0.44.dev20260713+nightly
codegen_flags: <defaults>
</compile_context>

<pallas_src>
import functools

import jax
import jax.numpy as jnp
from jax import lax
from jax.experimental import pallas as pl
from jax.experimental.pallas import tpu as pltpu
from jax.experimental.pallas import tpu_sc as plsc

NUM_PAGES = 2048
PAGE_SIZE = 16
SLOTS = 64
MAX_PAGES_PER_SLOT = 128
L = 16
ALLOC_CAP = 256

_out_type = (
    jax.ShapeDtypeStruct((NUM_PAGES,), jnp.int32),
    jax.ShapeDtypeStruct((SLOTS, MAX_PAGES_PER_SLOT), jnp.int32),
    jax.ShapeDtypeStruct((SLOTS,), jnp.int32),
    jax.ShapeDtypeStruct((SLOTS,), jnp.int32),
    jax.ShapeDtypeStruct((SLOTS,), jnp.int32),
    jax.ShapeDtypeStruct((SLOTS,), jnp.int32),
)

_scratch = (
    pltpu.VMEM((NUM_PAGES,), jnp.int32),
    pltpu.VMEM((SLOTS, MAX_PAGES_PER_SLOT), jnp.int32),
    pltpu.VMEM((SLOTS,), jnp.int32),
    pltpu.VMEM((SLOTS,), jnp.int32),
    pltpu.VMEM((SLOTS,), jnp.int32),
    pltpu.VMEM((L,), jnp.int32),
    pltpu.VMEM((ALLOC_CAP,), jnp.int32),
    pltpu.VMEM((SLOTS,), jnp.int32),
    pltpu.VMEM((SLOTS,), jnp.int32),
    pltpu.VMEM((SLOTS,), jnp.int32),
    pltpu.VMEM((SLOTS,), jnp.int32),
    pltpu.VMEM((SLOTS,), jnp.int32),
    pltpu.SemaphoreType.DMA,
    pltpu.SemaphoreType.DMA,
    pltpu.SemaphoreType.DMA,
    pltpu.SemaphoreType.DMA,
    pltpu.SemaphoreType.DMA,
    pltpu.SemaphoreType.DMA,
)


@functools.cache
def _build_page_manager_sc():
    mesh = plsc.VectorSubcoreMesh(core_axis_name="c", subcore_axis_name="s",
                                  num_cores=1, num_subcores=1)

    @functools.partial(
        pl.kernel, mesh=mesh, out_type=_out_type, scratch_types=_scratch,
        compiler_params=pltpu.CompilerParams(needs_layout_passes=False))
    def _page_manager_sc(ps_hbm, m_hbm, sl_hbm, np_hbm, spi_hbm, par_hbm,
                         ps_out, m_out, sl_out, np_out, spi_out, spsi_out,
                         ps_v, m_v, sl_v, np_v, spi_v, par_v,
                         alloc_v, tgt_v, pos_v, slout_v, npout_v, spsiout_v,
                         sem_ps, sem_m, sem_sl, sem_np, sem_spi, sem_par):
        is_w0 = jnp.logical_and(lax.axis_index("c") == 0,
                                lax.axis_index("s") == 0)

        @pl.when(is_w0)
        def _body():
            iota = lax.iota(jnp.int32, L)
            zeros = jnp.zeros((L,), jnp.int32)
            ones = jnp.ones((L,), jnp.int32)

            cp_ps = pltpu.async_copy(ps_hbm, ps_v, sem_ps)
            cp_m = pltpu.async_copy(m_hbm, m_v, sem_m)
            cp_sl = pltpu.async_copy(sl_hbm, sl_v, sem_sl)
            cp_np = pltpu.async_copy(np_hbm, np_v, sem_np)
            cp_spi = pltpu.async_copy(spi_hbm, spi_v, sem_spi)
            cp_par = pltpu.async_copy(par_hbm, par_v, sem_par)
            cp_par.wait()
            cp_sl.wait()
            cp_np.wait()

            par = par_v[:]
            slot = jnp.sum(jnp.where(iota == 0, par, 0))
            true_length = jnp.sum(jnp.where(iota == 1, par, 0))
            k1 = (true_length + (PAGE_SIZE - 1)) >> 4
            slot_splat = jnp.full((L,), slot, jnp.int32)
            tl_splat = jnp.full((L,), true_length, jnp.int32)
            k1_splat = jnp.full((L,), k1, jnp.int32)

            old_num = jnp.int32(0)
            for b in range(SLOTS // L):
                lanes = iota + (L * b)
                old_num = old_num + jnp.sum(
                    jnp.where(lanes == slot, np_v[pl.ds(L * b, L)], 0))
            old_num_splat = jnp.full((L,), old_num, jnp.int32)

            cnt_v = zeros
            for b in range(SLOTS // L):
                lanes = iota + (L * b)
                on_slot = lanes == slot_splat
                sl_in = sl_v[pl.ds(L * b, L)]
                sl_mid = jnp.where(on_slot, tl_splat, sl_in)
                sl_fin = sl_mid + jnp.where(sl_mid != 0, 1, 0)
                np_fin = (sl_fin + (PAGE_SIZE - 1)) >> 4
                spsi_fin = jnp.where(sl_fin == 0, 0,
                                     (sl_fin - 1) & (PAGE_SIZE - 1))
                slout_v[pl.ds(L * b, L)] = sl_fin
                npout_v[pl.ds(L * b, L)] = np_fin
                spsiout_v[pl.ds(L * b, L)] = spsi_fin
                cur_np = jnp.where(on_slot, k1_splat, np_v[pl.ds(L * b, L)])
                newp = (np_fin - cur_np) > 0
                order = cnt_v + plsc.cumsum(jnp.where(newp, ones, zeros)) - 1
                didx = jnp.where(newp, order, 0)
                plsc.store_scatter(tgt_v, [didx], lanes, mask=newp)
                plsc.store_scatter(pos_v, [didx], np_fin - 1, mask=newp)
                cnt_v = cnt_v + plsc.all_reduce_population_count(newp)
            k_total_splat = k1_splat + cnt_v
            k_total_s = k1 + jnp.sum(jnp.where(iota == 0, cnt_v, 0))
            out_sl = pltpu.async_copy(slout_v, sl_out, sem_sl)
            out_np = pltpu.async_copy(npout_v, np_out, sem_np)
            out_spsi = pltpu.async_copy(spsiout_v, spsi_out, sem_par)

            cp_ps.wait()
            cp_m.wait()

            def _release_chunk(b, carry):
                cols = iota + L * b
                pages = plsc.load_gather(m_v, [slot_splat, cols])
                rel = cols < old_num_splat
                plsc.store_scatter(ps_v, [jnp.where(rel, pages, 0)], zeros,
                                   mask=rel)
                plsc.store_scatter(m_v, [slot_splat, cols], zeros)
                return carry

            lax.fori_loop(0, MAX_PAGES_PER_SLOT // L, _release_chunk,
                          jnp.int32(0), unroll=False)

            UNROLL = 8
            def _scan_group(g, base_v):
                goff = g * (L * UNROLL)
                for j in range(UNROLL):
                    off = goff + (L * j)
                    idx = iota + off
                    v = ps_v[pl.ds(off, L)]
                    free = jnp.logical_and(v == 0, idx > 0)
                    freei = jnp.where(free, ones, zeros)
                    ranks = base_v + plsc.cumsum(freei)
                    take = jnp.logical_and(free, ranks <= k_total_splat)
                    plsc.store_scatter(alloc_v,
                                       [jnp.where(take, ranks - 1, 0)],
                                       idx, mask=take)
                    ps_v[pl.ds(off, L)] = jnp.where(take, 1, v)
                    base_v = base_v + plsc.all_reduce_population_count(free)
                return base_v

            def _scan_cond(c):
                g, base_v = c
                base_s = jnp.sum(jnp.where(iota == 0, base_v, 0))
                return jnp.logical_and(g < NUM_PAGES // (L * UNROLL),
                                       base_s < k_total_s)

            def _scan_body(c):
                g, base_v = c
                return (g + 1, _scan_group(g, base_v))

            lax.while_loop(_scan_cond, _scan_body, (jnp.int32(0), zeros))
            out_ps = pltpu.async_copy(ps_v, ps_out, sem_ps)

            def _prefill_chunk(b, carry):
                cols = iota + L * b
                pm = cols < k1_splat
                vals = plsc.load_gather(alloc_v, [jnp.where(pm, cols, 0)])
                plsc.store_scatter(m_v, [slot_splat, cols], vals, mask=pm)
                return carry

            lax.fori_loop(0, MAX_PAGES_PER_SLOT // L, _prefill_chunk,
                          jnp.int32(0), unroll=False)

            cp_spi.wait()
            lastp = plsc.load_gather(alloc_v,
                                     [jnp.maximum(k1_splat - 1, 0)])
            spi_slot_val = jnp.where(k1_splat > 0, lastp, 0)
            plsc.store_scatter(spi_v, [slot_splat], spi_slot_val,
                               mask=iota == 0)

            for b in range(SLOTS // L):
                lanes = iota + (L * b)
                dvalid = lanes < cnt_v
                aidx = jnp.where(dvalid, k1_splat + lanes, 0)
                dpages = plsc.load_gather(alloc_v, [aidx])
                lsafe = jnp.where(dvalid, lanes, 0)
                tg = plsc.load_gather(tgt_v, [lsafe])
                po = plsc.load_gather(pos_v, [lsafe])
                plsc.store_scatter(m_v, [tg, po], dpages, mask=dvalid)
                plsc.store_scatter(spi_v, [tg], dpages, mask=dvalid)

            out_m = pltpu.async_copy(m_v, m_out, sem_m)
            out_spi = pltpu.async_copy(spi_v, spi_out, sem_spi)
            out_sl.wait()
            out_np.wait()
            out_spsi.wait()
            out_ps.wait()
            out_m.wait()
            out_spi.wait()

    return _page_manager_sc


def kernel(page_status, seq_page_idx_mappings, seq_lengths, seq_num_pages,
           seq_page_indices, seq_page_slice_indices, slot, true_length):
    del seq_page_slice_indices
    par = jnp.zeros((L,), jnp.int32)
    par = par.at[0].set(jnp.asarray(slot, jnp.int32))
    par = par.at[1].set(jnp.asarray(true_length, jnp.int32))
    return _build_page_manager_sc()(
        page_status.astype(jnp.int32),
        seq_page_idx_mappings.astype(jnp.int32),
        seq_lengths.astype(jnp.int32),
        seq_num_pages.astype(jnp.int32),
        seq_page_indices.astype(jnp.int32),
        par,
    )

# --- scband reference (transcript-rebuilt; emitter-appended) ---
"""Pipeline reference for scband-page-manager-27771258536549 (READ-ONLY COPY).

The authoritative reference and input builder live on the scoring server;
editing this copy changes nothing except your own understanding.
"""

import jax, jax.numpy as jnp
import numpy as np

NUM_PAGES = 2048
PAGE_SIZE = 16
SLOTS = 64
MAX_PAGES_PER_SLOT = 128


def setup_inputs() -> dict:
    rng = np.random.default_rng(0)
    seq_lengths = rng.integers(0, 256, size=SLOTS).astype(np.int32)
    seq_num_pages = np.ceil(seq_lengths / PAGE_SIZE).astype(np.int32)
    page_status = np.zeros(NUM_PAGES, dtype=np.int32)
    seq_page_idx_mappings = np.zeros((SLOTS, MAX_PAGES_PER_SLOT), dtype=np.int32)
    seq_page_indices = np.zeros(SLOTS, dtype=np.int32)
    next_page = 1
    for s in range(SLOTS):
        for i in range(int(seq_num_pages[s])):
            seq_page_idx_mappings[s, i] = next_page
            page_status[next_page] = 1
            seq_page_indices[s] = next_page
            next_page += 1
    seq_page_slice_indices = np.where(seq_lengths == 0, 0, (seq_lengths - 1) % PAGE_SIZE).astype(np.int32)
    return {
        "page_status": jnp.asarray(page_status),
        "seq_page_idx_mappings": jnp.asarray(seq_page_idx_mappings),
        "seq_lengths": jnp.asarray(seq_lengths),
        "seq_num_pages": jnp.asarray(seq_num_pages),
        "seq_page_indices": jnp.asarray(seq_page_indices),
        "seq_page_slice_indices": jnp.asarray(seq_page_slice_indices),
        "slot": 3,
        "true_length": 600,
    }


def _release_slot_pages(slot, page_status, seq_page_idx_mappings, seq_lengths,
                        seq_num_pages, seq_page_indices, seq_page_slice_indices):
    def _release_page(i, state):
        m, ps = state
        page_idx = m[slot, i]
        ps = ps.at[page_idx].set(0)
        m = m.at[slot, i].set(0)
        return (m, ps)

    seq_page_idx_mappings, page_status = jax.lax.fori_loop(
        0, seq_num_pages[slot], _release_page, (seq_page_idx_mappings, page_status))
    seq_lengths = seq_lengths.at[slot].set(0)
    seq_num_pages = seq_num_pages.at[slot].set(0)
    seq_page_indices = seq_page_indices.at[slot].set(0)
    seq_page_slice_indices = seq_page_slice_indices.at[slot].set(0)
    return (page_status, seq_page_idx_mappings, seq_lengths, seq_num_pages,
            seq_page_indices, seq_page_slice_indices)


def _reserve_prefix_slot_pages(slot, true_length, page_status, seq_page_idx_mappings,
                               seq_lengths, seq_num_pages, seq_page_indices,
                               seq_page_slice_indices):
    (page_status, seq_page_idx_mappings, seq_lengths, seq_num_pages,
     seq_page_indices, seq_page_slice_indices) = _release_slot_pages(
        slot, page_status, seq_page_idx_mappings, seq_lengths, seq_num_pages,
        seq_page_indices, seq_page_slice_indices)
    prefill_slot_num_pages = jnp.ceil(true_length / PAGE_SIZE).astype(jnp.int32)
    prefill_slot_page_slice_idx = jnp.where(true_length == 0, 0, (true_length - 1) % PAGE_SIZE)

    def _reserve_page(i, state):
        m, ps, spi = state
        page_idx = jnp.where(ps[1:] == 0, size=1)[0][0] + 1
        ps = ps.at[page_idx].set(1)
        m = m.at[slot, i].set(page_idx)
        spi = spi.at[slot].set(page_idx)
        return (m, ps, spi)

    seq_page_idx_mappings, page_status, seq_page_indices = jax.lax.fori_loop(
        0, prefill_slot_num_pages, _reserve_page,
        (seq_page_idx_mappings, page_status, seq_page_indices))
    seq_lengths = seq_lengths.at[slot].set(true_length)
    seq_num_pages = seq_num_pages.at[slot].set(prefill_slot_num_pages)
    seq_page_slice_indices = seq_page_slice_indices.at[slot].set(prefill_slot_page_slice_idx)
    return (page_status, seq_page_idx_mappings, seq_lengths, seq_num_pages,
            seq_page_indices, seq_page_slice_indices)


def _reserve_decode_step_pages(page_status, seq_page_idx_mappings, seq_lengths,
                               seq_num_pages, seq_page_indices, seq_page_slice_indices):
    seq_lengths_step = jnp.logical_and(
        jnp.ones(seq_lengths.shape, dtype=jnp.int32), seq_lengths).astype(jnp.int32)
    seq_lengths = seq_lengths + seq_lengths_step
    current_seq_num_pages = seq_num_pages
    seq_num_pages = jnp.ceil(seq_lengths / PAGE_SIZE).astype(jnp.int32)
    seq_page_slice_indices = jnp.where(
        seq_lengths == 0, 0, (seq_lengths - 1) % PAGE_SIZE).astype(jnp.int32)
    seq_new_page = seq_num_pages - current_seq_num_pages
    updating_slots = jnp.where(seq_new_page > 0, size=SLOTS)[0]

    def _reserve_page(i, state):
        ps, m, spi, us = state
        slot = jax.lax.dynamic_index_in_dim(us, i, axis=0, keepdims=False)
        page_idx = jnp.where(ps[1:] == 0, size=1)[0][0] + 1
        ps = ps.at[page_idx].set(1)
        m = m.at[slot, seq_num_pages[slot] - 1].set(page_idx)
        spi = spi.at[slot].set(page_idx)
        return (ps, m, spi, us)

    page_status, seq_page_idx_mappings, seq_page_indices, _ = jax.lax.fori_loop(
        0, jnp.count_nonzero(seq_new_page), _reserve_page,
        (page_status, seq_page_idx_mappings, seq_page_indices, updating_slots))
    return (page_status, seq_page_idx_mappings, seq_lengths, seq_num_pages,
            seq_page_indices, seq_page_slice_indices)


def reference(page_status, seq_page_idx_mappings, seq_lengths, seq_num_pages,
              seq_page_indices, seq_page_slice_indices, slot, true_length):
    state = _reserve_prefix_slot_pages(
        slot, true_length, page_status, seq_page_idx_mappings, seq_lengths,
        seq_num_pages, seq_page_indices, seq_page_slice_indices)
    state = _reserve_decode_step_pages(*state)
    return state

if __name__ == "__main__":
    import jax
    _d = setup_inputs()
    print(jax.jit(kernel)(*tuple(_d.values())))

</pallas_src>

<mosaic_0001>
#map = affine_map<(d0, d1) -> (0)>
#map1 = affine_map<(d0, d1) -> (0, 0)>
module attributes {stable_mosaic.version = 14 : i64} {
  func.func @_page_manager_sc(%arg0: i32, %arg1: i32, %arg2: memref<2048xi32, #tpu.memory_space<hbm>>, %arg3: memref<64x128xi32, #tpu.memory_space<hbm>>, %arg4: memref<64xi32, #tpu.memory_space<hbm>>, %arg5: memref<64xi32, #tpu.memory_space<hbm>>, %arg6: memref<64xi32, #tpu.memory_space<hbm>>, %arg7: memref<16xi32, #tpu.memory_space<hbm>>, %arg8: memref<2048xi32, #tpu.memory_space<hbm>>, %arg9: memref<64x128xi32, #tpu.memory_space<hbm>>, %arg10: memref<64xi32, #tpu.memory_space<hbm>>, %arg11: memref<64xi32, #tpu.memory_space<hbm>>, %arg12: memref<64xi32, #tpu.memory_space<hbm>>, %arg13: memref<64xi32, #tpu.memory_space<hbm>>, %arg14: memref<2048xi32, #tpu.memory_space<vmem>>, %arg15: memref<64x128xi32, #tpu.memory_space<vmem>>, %arg16: memref<64xi32, #tpu.memory_space<vmem>>, %arg17: memref<64xi32, #tpu.memory_space<vmem>>, %arg18: memref<64xi32, #tpu.memory_space<vmem>>, %arg19: memref<16xi32, #tpu.memory_space<vmem>>, %arg20: memref<256xi32, #tpu.memory_space<vmem>>, %arg21: memref<64xi32, #tpu.memory_space<vmem>>, %arg22: memref<64xi32, #tpu.memory_space<vmem>>, %arg23: memref<64xi32, #tpu.memory_space<vmem>>, %arg24: memref<64xi32, #tpu.memory_space<vmem>>, %arg25: memref<64xi32, #tpu.memory_space<vmem>>, %arg26: memref<!tpu.dma_semaphore, #tpu.memory_space<semaphore_mem>>, %arg27: memref<!tpu.dma_semaphore, #tpu.memory_space<semaphore_mem>>, %arg28: memref<!tpu.dma_semaphore, #tpu.memory_space<semaphore_mem>>, %arg29: memref<!tpu.dma_semaphore, #tpu.memory_space<semaphore_mem>>, %arg30: memref<!tpu.dma_semaphore, #tpu.memory_space<semaphore_mem>>, %arg31: memref<!tpu.dma_semaphore, #tpu.memory_space<semaphore_mem>>) attributes {dimension_semantics = [#tpu.dimension_semantics<core_parallel>, #tpu.dimension_semantics<subcore_parallel>], iteration_bounds = array<i64: 1, 1>, scalar_prefetch = 0 : i64, scratch_operands = 18 : i64, tpu.core_type = #tpu.core_type<sc_vector_subcore>, window_params = [{transform_indices = #map}, {transform_indices = #map1}, {transform_indices = #map}, {transform_indices = #map}, {transform_indices = #map}, {transform_indices = #map}, {transform_indices = #map}, {transform_indices = #map1}, {transform_indices = #map}, {transform_indices = #map}, {transform_indices = #map}, {transform_indices = #map}]} {
    %eq3A = arith.constant 0 : i32
    %eq3A_0 = arith.cmpi eq, %arg0, %eq3A : i32
    %eq3A_1 = arith.constant 0 : i32
    %eq3A_2 = arith.cmpi eq, %arg1, %eq3A_1 : i32
    %and3A = arith.andi %eq3A_0, %eq3A_2 : i1
    %convert_element_type3A = arith.extui %and3A : i1 to i32
    %cond3A = arith.constant 0 : i32
    %cond3A_3 = arith.cmpi ne, %convert_element_type3A, %cond3A : i32
    scf.if %cond3A_3 {
      %iota3A = tpu.iota {dimensions = array<i32: 0>} : vector<16xi32>
      %broadcast_in_dim3A = arith.constant 0 : i32
      %broadcast_in_dim3A_4 = vector.broadcast %broadcast_in_dim3A : i32 to vector<16xi32>
      %broadcast_in_dim3A_5 = arith.constant 1 : i32
      %broadcast_in_dim3A_6 = vector.broadcast %broadcast_in_dim3A_5 : i32 to vector<16xi32>
      tpu.enqueue_dma source(%arg2 : memref<2048xi32, #tpu.memory_space<hbm>>) target(%arg14 : memref<2048xi32, #tpu.memory_space<vmem>>) target_semaphore(%arg26 : memref<!tpu.dma_semaphore, #tpu.memory_space<semaphore_mem>>)
      tpu.enqueue_dma source(%arg3 : memref<64x128xi32, #tpu.memory_space<hbm>>) target(%arg15 : memref<64x128xi32, #tpu.memory_space<vmem>>) target_semaphore(%arg27 : memref<!tpu.dma_semaphore, #tpu.memory_space<semaphore_mem>>)
      tpu.enqueue_dma source(%arg4 : memref<64xi32, #tpu.memory_space<hbm>>) target(%arg16 : memref<64xi32, #tpu.memory_space<vmem>>) target_semaphore(%arg28 : memref<!tpu.dma_semaphore, #tpu.memory_space<semaphore_mem>>)
      tpu.enqueue_dma source(%arg5 : memref<64xi32, #tpu.memory_space<hbm>>) target(%arg17 : memref<64xi32, #tpu.memory_space<vmem>>) target_semaphore(%arg29 : memref<!tpu.dma_semaphore, #tpu.memory_space<semaphore_mem>>)
      tpu.enqueue_dma source(%arg6 : memref<64xi32, #tpu.memory_space<hbm>>) target(%arg18 : memref<64xi32, #tpu.memory_space<vmem>>) target_semaphore(%arg30 : memref<!tpu.dma_semaphore, #tpu.memory_space<semaphore_mem>>)
      tpu.enqueue_dma source(%arg7 : memref<16xi32, #tpu.memory_space<hbm>>) target(%arg19 : memref<16xi32, #tpu.memory_space<vmem>>) target_semaphore(%arg31 : memref<!tpu.dma_semaphore, #tpu.memory_space<semaphore_mem>>)
      tpu.wait_dma2 semaphore(%arg31 : memref<!tpu.dma_semaphore, #tpu.memory_space<semaphore_mem>>) src(%arg7 : memref<16xi32, #tpu.memory_space<hbm>>) dst(%arg19 : memref<16xi32, #tpu.memory_space<vmem>>)
      tpu.wait_dma2 semaphore(%arg28 : memref<!tpu.dma_semaphore, #tpu.memory_space<semaphore_mem>>) src(%arg4 : memref<64xi32, #tpu.memory_space<hbm>>) dst(%arg16 : memref<64xi32, #tpu.memory_space<vmem>>)
      tpu.wait_dma2 semaphore(%arg29 : memref<!tpu.dma_semaphore, #tpu.memory_space<semaphore_mem>>) src(%arg5 : memref<64xi32, #tpu.memory_space<hbm>>) dst(%arg17 : memref<64xi32, #tpu.memory_space<vmem>>)
      %get3A = arith.constant 0 : index
      %get3A_7 = tpu.vector_load %arg19[%get3A] {strides = array<i32>} : memref<16xi32, #tpu.memory_space<vmem>>, vector<16xi32>,
      %eq3A_8 = arith.constant 0 : i32
      %eq3A_9 = vector.broadcast %eq3A_8 : i32 to vector<16xi32>
      %eq3A_10 = arith.cmpi eq, %iota3A, %eq3A_9 : vector<16xi32>
      %jit3A = arith.constant 0 : i32
      %broadcast_in_dim3A_11 = vector.broadcast %jit3A : i32 to vector<16xi32>
      %select_n3A = arith.select %eq3A_10, %get3A_7, %broadcast_in_dim3A_11 : vector<16xi1>, vector<16xi32>
      %reduce_sum3A = arith.constant true
      %reduce_sum3A_12 = vector.broadcast %reduce_sum3A : i1 to vector<16xi1>
      %reduce_sum3A_13 = tpu.scan <sum>, %select_n3A masked %reduce_sum3A_12 : vector<16xi32>, vector<16xi1> -> vector<16xi32>
      %reduce_sum3A_14 = vector.extract %reduce_sum3A_13[15] : i32 from vector<16xi32>
      %eq3A_15 = arith.constant 1 : i32
      %eq3A_16 = vector.broadcast %eq3A_15 : i32 to vector<16xi32>
      %eq3A_17 = arith.cmpi eq, %iota3A, %eq3A_16 : vector<16xi32>
      %jit3A_18 = arith.constant 0 : i32
      %broadcast_in_dim3A_19 = vector.broadcast %jit3A_18 : i32 to vector<16xi32>
      %select_n3A_20 = arith.select %eq3A_17, %get3A_7, %broadcast_in_dim3A_19 : vector<16xi1>, vector<16xi32>
      %reduce_sum3A_21 = arith.constant true
      %reduce_sum3A_22 = vector.broadcast %reduce_sum3A_21 : i1 to vector<16xi1>
      %reduce_sum3A_23 = tpu.scan <sum>, %select_n3A_20 masked %reduce_sum3A_22 : vector<16xi32>, vector<16xi1> -> vector<16xi32>
      %reduce_sum3A_24 = vector.extract %reduce_sum3A_23[15] : i32 from vector<16xi32>
      %add3A = arith.constant 15 : i32
      %add3A_25 = arith.addi %reduce_sum3A_24, %add3A : i32
      %shift_right_arithmetic3A = arith.constant 4 : i32
      %shift_right_arithmetic3A_26 = arith.shrsi %add3A_25, %shift_right_arithmetic3A : i32
      %broadcast_in_dim3A_27 = vector.broadcast %reduce_sum3A_14 : i32 to vector<16xi32>
      %broadcast_in_dim3A_28 = vector.broadcast %reduce_sum3A_24 : i32 to vector<16xi32>
      %broadcast_in_dim3A_29 = vector.broadcast %shift_right_arithmetic3A_26 : i32 to vector<16xi32>
      %add3A_30 = arith.constant 0 : i32
      %add3A_31 = vector.broadcast %add3A_30 : i32 to vector<16xi32>
      %add3A_32 = arith.addi %iota3A, %add3A_31 : vector<16xi32>
      %eq3A_33 = vector.broadcast %reduce_sum3A_14 : i32 to vector<16xi32>
      %eq3A_34 = arith.cmpi eq, %add3A_32, %eq3A_33 : vector<16xi32>
      %get3A_35 = arith.constant 0 : index
      %get3A_36 = tpu.vector_load %arg17[%get3A_35] {strides = array<i32>} : memref<64xi32, #tpu.memory_space<vmem>>, vector<16xi32>,
      %jit3A_37 = arith.constant 0 : i32
      %broadcast_in_dim3A_38 = vector.broadcast %jit3A_37 : i32 to vector<16xi32>
      %select_n3A_39 = arith.select %eq3A_34, %get3A_36, %broadcast_in_dim3A_38 : vector<16xi1>, vector<16xi32>
      %reduce_sum3A_40 = arith.constant true
      %reduce_sum3A_41 = vector.broadcast %reduce_sum3A_40 : i1 to vector<16xi1>
      %reduce_sum3A_42 = tpu.scan <sum>, %select_n3A_39 masked %reduce_sum3A_41 : vector<16xi32>, vector<16xi1> -> vector<16xi32>
      %reduce_sum3A_43 = vector.extract %reduce_sum3A_42[15] : i32 from vector<16xi32>
      %add3A_44 = arith.constant 0 : i32
      %add3A_45 = arith.addi %add3A_44, %reduce_sum3A_43 : i32
      %add3A_46 = arith.constant 16 : i32
      %add3A_47 = vector.broadcast %add3A_46 : i32 to vector<16xi32>
      %add3A_48 = arith.addi %iota3A, %add3A_47 : vector<16xi32>
      %eq3A_49 = vector.broadcast %reduce_sum3A_14 : i32 to vector<16xi32>
      %eq3A_50 = arith.cmpi eq, %add3A_48, %eq3A_49 : vector<16xi32>
      %get3A_51 = arith.constant 16 : index
      %get3A_52 = tpu.vector_load %arg17[%get3A_51] {strides = array<i32>} : memref<64xi32, #tpu.memory_space<vmem>>, vector<16xi32>,
      %jit3A_53 = arith.constant 0 : i32
      %broadcast_in_dim3A_54 = vector.broadcast %jit3A_53 : i32 to vector<16xi32>
      %select_n3A_55 = arith.select %eq3A_50, %get3A_52, %broadcast_in_dim3A_54 : vector<16xi1>, vector<16xi32>
      %reduce_sum3A_56 = arith.constant true
      %reduce_sum3A_57 = vector.broadcast %reduce_sum3A_56 : i1 to vector<16xi1>
      %reduce_sum3A_58 = tpu.scan <sum>, %select_n3A_55 masked %reduce_sum3A_57 : vector<16xi32>, vector<16xi1> -> vector<16xi32>
      %reduce_sum3A_59 = vector.extract %reduce_sum3A_58[15] : i32 from vector<16xi32>
      %add3A_60 = arith.addi %add3A_45, %reduce_sum3A_59 : i32
      %add3A_61 = arith.constant 32 : i32
      %add3A_62 = vector.broadcast %add3A_61 : i32 to vector<16xi32>
      %add3A_63 = arith.addi %iota3A, %add3A_62 : vector<16xi32>
      %eq3A_64 = vector.broadcast %reduce_sum3A_14 : i32 to vector<16xi32>
      %eq3A_65 = arith.cmpi eq, %add3A_63, %eq3A_64 : vector<16xi32>
      %get3A_66 = arith.constant 32 : index
      %get3A_67 = tpu.vector_load %arg17[%get3A_66] {strides = array<i32>} : memref<64xi32, #tpu.memory_space<vmem>>, vector<16xi32>,
      %jit3A_68 = arith.constant 0 : i32
      %broadcast_in_dim3A_69 = vector.broadcast %jit3A_68 : i32 to vector<16xi32>
      %select_n3A_70 = arith.select %eq3A_65, %get3A_67, %broadcast_in_dim3A_69 : vector<16xi1>, vector<16xi32>
      %reduce_sum3A_71 = arith.constant true
      %reduce_sum3A_72 = vector.broadcast %reduce_sum3A_71 : i1 to vector<16xi1>
      %reduce_sum3A_73 = tpu.scan <sum>, %select_n3A_70 masked %reduce_sum3A_72 : vector<16xi32>, vector<16xi1> -> vector<16xi32>
      %reduce_sum3A_74 = vector.extract %reduce_sum3A_73[15] : i32 from vector<16xi32>
      %add3A_75 = arith.addi %add3A_60, %reduce_sum3A_74 : i32
      %add3A_76 = arith.constant 48 : i32
      %add3A_77 = vector.broadcast %add3A_76 : i32 to vector<16xi32>
      %add3A_78 = arith.addi %iota3A, %add3A_77 : vector<16xi32>
      %eq3A_79 = vector.broadcast %reduce_sum3A_14 : i32 to vector<16xi32>
      %eq3A_80 = arith.cmpi eq, %add3A_78, %eq3A_79 : vector<16xi32>
      %get3A_81 = arith.constant 48 : index
      %get3A_82 = tpu.vector_load %arg17[%get3A_81] {strides = array<i32>} : memref<64xi32, #tpu.memory_space<vmem>>, vector<16xi32>,
      %jit3A_83 = arith.constant 0 : i32
      %broadcast_in_dim3A_84 = vector.broadcast %jit3A_83 : i32 to vector<16xi32>
      %select_n3A_85 = arith.select %eq3A_80, %get3A_82, %broadcast_in_dim3A_84 : vector<16xi1>, vector<16xi32>
      %reduce_sum3A_86 = arith.constant true
      %reduce_sum3A_87 = vector.broadcast %reduce_sum3A_86 : i1 to vector<16xi1>
      %reduce_sum3A_88 = tpu.scan <sum>, %select_n3A_85 masked %reduce_sum3A_87 : vector<16xi32>, vector<16xi1> -> vector<16xi32>
      %reduce_sum3A_89 = vector.extract %reduce_sum3A_88[15] : i32 from vector<16xi32>
      %add3A_90 = arith.addi %add3A_75, %reduce_sum3A_89 : i32
      %broadcast_in_dim3A_91 = vector.broadcast %add3A_90 : i32 to vector<16xi32>
      %add3A_92 = arith.constant 0 : i32
      %add3A_93 = vector.broadcast %add3A_92 : i32 to vector<16xi32>
      %add3A_94 = arith.addi %iota3A, %add3A_93 : vector<16xi32>
      %eq3A_95 = arith.cmpi eq, %add3A_94, %broadcast_in_dim3A_27 : vector<16xi32>
      %get3A_96 = arith.constant 0 : index
      %get3A_97 = tpu.vector_load %arg16[%get3A_96] {strides = array<i32>} : memref<64xi32, #tpu.memory_space<vmem>>, vector<16xi32>,
      %select_n3A_98 = arith.select %eq3A_95, %broadcast_in_dim3A_28, %get3A_97 : vector<16xi1>, vector<16xi32>
      %ne3A = arith.constant 0 : i32
      %ne3A_99 = vector.broadcast %ne3A : i32 to vector<16xi32>
      %ne3A_100 = arith.cmpi ne, %select_n3A_98, %ne3A_99 : vector<16xi32>
      %jit3A_101 = arith.constant 1 : i32
      %jit3A_102 = arith.constant 0 : i32
      %broadcast_in_dim3A_103 = vector.broadcast %jit3A_101 : i32 to vector<16xi32>
      %broadcast_in_dim3A_104 = vector.broadcast %jit3A_102 : i32 to vector<16xi32>
      %select_n3A_105 = arith.select %ne3A_100, %broadcast_in_dim3A_103, %broadcast_in_dim3A_104 : vector<16xi1>, vector<16xi32>
      %add3A_106 = arith.addi %select_n3A_98, %select_n3A_105 : vector<16xi32>
      %add3A_107 = arith.constant 15 : i32
      %add3A_108 = vector.broadcast %add3A_107 : i32 to vector<16xi32>
      %add3A_109 = arith.addi %add3A_106, %add3A_108 : vector<16xi32>
      %shift_right_arithmetic3A_110 = arith.constant 4 : i32
      %shift_right_arithmetic3A_111 = vector.broadcast %shift_right_arithmetic3A_110 : i32 to vector<16xi32>
      %shift_right_arithmetic3A_112 = arith.shrsi %add3A_109, %shift_right_arithmetic3A_111 : vector<16xi32>
      %eq3A_113 = arith.constant 0 : i32
      %eq3A_114 = vector.broadcast %eq3A_113 : i32 to vector<16xi32>
      %eq3A_115 = arith.cmpi eq, %add3A_106, %eq3A_114 : vector<16xi32>
      %sub3A = arith.constant 1 : i32
      %sub3A_116 = vector.broadcast %sub3A : i32 to vector<16xi32>
      %sub3A_117 = arith.subi %add3A_106, %sub3A_116 : vector<16xi32>
      %and3A_118 = arith.constant 15 : i32
      %and3A_119 = vector.broadcast %and3A_118 : i32 to vector<16xi32>
      %and3A_120 = arith.andi %sub3A_117, %and3A_119 : vector<16xi32>
      %jit3A_121 = arith.constant 0 : i32
      %broadcast_in_dim3A_122 = vector.broadcast %jit3A_121 : i32 to vector<16xi32>
      %select_n3A_123 = arith.select %eq3A_115, %broadcast_in_dim3A_122, %and3A_120 : vector<16xi1>, vector<16xi32>
      %swap3A = arith.constant 0 : index
      %swap3A_124 = tpu.vector_load %arg23[%swap3A] {strides = array<i32>} : memref<64xi32, #tpu.memory_space<vmem>>, vector<16xi32>,
      tpu.vector_store %arg23[%swap3A], %add3A_106 {strides = array<i32>} : memref<64xi32, #tpu.memory_space<vmem>>, vector<16xi32>,
      %swap3A_125 = arith.constant 0 : index
      %swap3A_126 = tpu.vector_load %arg24[%swap3A_125] {strides = array<i32>} : memref<64xi32, #tpu.memory_space<vmem>>, vector<16xi32>,
      tpu.vector_store %arg24[%swap3A_125], %shift_right_arithmetic3A_112 {strides = array<i32>} : memref<64xi32, #tpu.memory_space<vmem>>, vector<16xi32>,
      %swap3A_127 = arith.constant 0 : index
      %swap3A_128 = tpu.vector_load %arg25[%swap3A_127] {strides = array<i32>} : memref<64xi32, #tpu.memory_space<vmem>>, vector<16xi32>,
      tpu.vector_store %arg25[%swap3A_127], %select_n3A_123 {strides = array<i32>} : memref<64xi32, #tpu.memory_space<vmem>>, vector<16xi32>,
      %get3A_129 = arith.constant 0 : index
      %get3A_130 = tpu.vector_load %arg17[%get3A_129] {strides = array<i32>} : memref<64xi32, #tpu.memory_space<vmem>>, vector<16xi32>,
      %select_n3A_131 = arith.select %eq3A_95, %broadcast_in_dim3A_29, %get3A_130 : vector<16xi1>, vector<16xi32>
      %sub3A_132 = arith.subi %shift_right_arithmetic3A_112, %select_n3A_131 : vector<16xi32>
      %gt3A = arith.constant 0 : i32
      %gt3A_133 = vector.broadcast %gt3A : i32 to vector<16xi32>
      %gt3A_134 = arith.cmpi sgt, %sub3A_132, %gt3A_133 : vector<16xi32>
      %select_n3A_135 = arith.select %gt3A_134, %broadcast_in_dim3A_6, %broadcast_in_dim3A_4 : vector<16xi1>, vector<16xi32>
      %broadcast_in_dim3A_136 = arith.constant true
      %broadcast_in_dim3A_137 = vector.broadcast %broadcast_in_dim3A_136 : i1 to vector<16xi1>
      %masked_cumsum3A = tpu.scan <sum>, %select_n3A_135 masked %broadcast_in_dim3A_137 : vector<16xi32>, vector<16xi1> -> vector<16xi32>
      %add3A_138 = arith.addi %broadcast_in_dim3A_4, %masked_cumsum3A : vector<16xi32>
      %sub3A_139 = arith.constant 1 : i32
      %sub3A_140 = vector.broadcast %sub3A_139 : i32 to vector<16xi32>
      %sub3A_141 = arith.subi %add3A_138, %sub3A_140 : vector<16xi32>
      %jit3A_142 = arith.constant 0 : i32
      %broadcast_in_dim3A_143 = vector.broadcast %jit3A_142 : i32 to vector<16xi32>
      %select_n3A_144 = arith.select %gt3A_134, %sub3A_141, %broadcast_in_dim3A_143 : vector<16xi1>, vector<16xi32>
      tpu.vector_store_idx %arg21[%select_n3A_144], %add3A_94 masked %gt3A_134 : memref<64xi32, #tpu.memory_space<vmem>>[vector<16xi32>], vector<16xi32>, vector<16xi1>
      %sub3A_145 = arith.constant 1 : i32
      %sub3A_146 = vector.broadcast %sub3A_145 : i32 to vector<16xi32>
      %sub3A_147 = arith.subi %shift_right_arithmetic3A_112, %sub3A_146 : vector<16xi32>
      tpu.vector_store_idx %arg22[%select_n3A_144], %sub3A_147 masked %gt3A_134 : memref<64xi32, #tpu.memory_space<vmem>>[vector<16xi32>], vector<16xi32>, vector<16xi1>
      %all_reduce_population_count3A = tpu.all_reduce %gt3A_134 {dim = 0 : i64, kind = #tpu.reduction_kind<sum>} : vector<16xi1> -> vector<16xi32>
      %add3A_148 = arith.addi %broadcast_in_dim3A_4, %all_reduce_population_count3A : vector<16xi32>
      %add3A_149 = arith.constant 16 : i32
      %add3A_150 = vector.broadcast %add3A_149 : i32 to vector<16xi32>
      %add3A_151 = arith.addi %iota3A, %add3A_150 : vector<16xi32>
      %eq3A_152 = arith.cmpi eq, %add3A_151, %broadcast_in_dim3A_27 : vector<16xi32>
      %get3A_153 = arith.constant 16 : index
      %get3A_154 = tpu.vector_load %arg16[%get3A_153] {strides = array<i32>} : memref<64xi32, #tpu.memory_space<vmem>>, vector<16xi32>,
      %select_n3A_155 = arith.select %eq3A_152, %broadcast_in_dim3A_28, %get3A_154 : vector<16xi1>, vector<16xi32>
      %ne3A_156 = arith.constant 0 : i32
      %ne3A_157 = vector.broadcast %ne3A_156 : i32 to vector<16xi32>
      %ne3A_158 = arith.cmpi ne, %select_n3A_155, %ne3A_157 : vector<16xi32>
      %jit3A_159 = arith.constant 1 : i32
      %jit3A_160 = arith.constant 0 : i32
      %broadcast_in_dim3A_161 = vector.broadcast %jit3A_159 : i32 to vector<16xi32>
      %broadcast_in_dim3A_162 = vector.broadcast %jit3A_160 : i32 to vector<16xi32>
      %select_n3A_163 = arith.select %ne3A_158, %broadcast_in_dim3A_161, %broadcast_in_dim3A_162 : vector<16xi1>, vector<16xi32>
      %add3A_164 = arith.addi %select_n3A_155, %select_n3A_163 : vector<16xi32>
      %add3A_165 = arith.constant 15 : i32
      %add3A_166 = vector.broadcast %add3A_165 : i32 to vector<16xi32>
      %add3A_167 = arith.addi %add3A_164, %add3A_166 : vector<16xi32>
      %shift_right_arithmetic3A_168 = arith.constant 4 : i32
      %shift_right_arithmetic3A_169 = vector.broadcast %shift_right_arithmetic3A_168 : i32 to vector<16xi32>
      %shift_right_arithmetic3A_170 = arith.shrsi %add3A_167, %shift_right_arithmetic3A_169 : vector<16xi32>
      %eq3A_171 = arith.constant 0 : i32
      %eq3A_172 = vector.broadcast %eq3A_171 : i32 to vector<16xi32>
      %eq3A_173 = arith.cmpi eq, %add3A_164, %eq3A_172 : vector<16xi32>
      %sub3A_174 = arith.constant 1 : i32
      %sub3A_175 = vector.broadcast %sub3A_174 : i32 to vector<16xi32>
      %sub3A_176 = arith.subi %add3A_164, %sub3A_175 : vector<16xi32>
      %and3A_177 = arith.constant 15 : i32
      %and3A_178 = vector.broadcast %and3A_177 : i32 to vector<16xi32>
      %and3A_179 = arith.andi %sub3A_176, %and3A_178 : vector<16xi32>
      %jit3A_180 = arith.constant 0 : i32
      %broadcast_in_dim3A_181 = vector.broadcast %jit3A_180 : i32 to vector<16xi32>
      %select_n3A_182 = arith.select %eq3A_173, %broadcast_in_dim3A_181, %and3A_179 : vector<16xi1>, vector<16xi32>
      %swap3A_183 = arith.constant 16 : index
      %swap3A_184 = tpu.vector_load %arg23[%swap3A_183] {strides = array<i32>} : memref<64xi32, #tpu.memory_space<vmem>>, vector<16xi32>,
      tpu.vector_store %arg23[%swap3A_183], %add3A_164 {strides = array<i32>} : memref<64xi32, #tpu.memory_space<vmem>>, vector<16xi32>,
      %swap3A_185 = arith.constant 16 : index
      %swap3A_186 = tpu.vector_load %arg24[%swap3A_185] {strides = array<i32>} : memref<64xi32, #tpu.memory_space<vmem>>, vector<16xi32>,
      tpu.vector_store %arg24[%swap3A_185], %shift_right_arithmetic3A_170 {strides = array<i32>} : memref<64xi32, #tpu.memory_space<vmem>>, vector<16xi32>,
      %swap3A_187 = arith.constant 16 : index
      %swap3A_188 = tpu.vector_load %arg25[%swap3A_187] {strides = array<i32>} : memref<64xi32, #tpu.memory_space<vmem>>, vector<16xi32>,
      tpu.vector_store %arg25[%swap3A_187], %select_n3A_182 {strides = array<i32>} : memref<64xi32, #tpu.memory_space<vmem>>, vector<16xi32>,
      %get3A_189 = arith.constant 16 : index
      %get3A_190 = tpu.vector_load %arg17[%get3A_189] {strides = array<i32>} : memref<64xi32, #tpu.memory_space<vmem>>, vector<16xi32>,
      %select_n3A_191 = arith.select %eq3A_152, %broadcast_in_dim3A_29, %get3A_190 : vector<16xi1>, vector<16xi32>
      %sub3A_192 = arith.subi %shift_right_arithmetic3A_170, %select_n3A_191 : vector<16xi32>
      %gt3A_193 = arith.constant 0 : i32
      %gt3A_194 = vector.broadcast %gt3A_193 : i32 to vector<16xi32>
      %gt3A_195 = arith.cmpi sgt, %sub3A_192, %gt3A_194 : vector<16xi32>
      %select_n3A_196 = arith.select %gt3A_195, %broadcast_in_dim3A_6, %broadcast_in_dim3A_4 : vector<16xi1>, vector<16xi32>
      %broadcast_in_dim3A_197 = arith.constant true
      %broadcast_in_dim3A_198 = vector.broadcast %broadcast_in_dim3A_197 : i1 to vector<16xi1>
      %masked_cumsum3A_199 = tpu.scan <sum>, %select_n3A_196 masked %broadcast_in_dim3A_198 : vector<16xi32>, vector<16xi1> -> vector<16xi32>
      %add3A_200 = arith.addi %add3A_148, %masked_cumsum3A_199 : vector<16xi32>
      %sub3A_201 = arith.constant 1 : i32
      %sub3A_202 = vector.broadcast %sub3A_201 : i32 to vector<16xi32>
      %sub3A_203 = arith.subi %add3A_200, %sub3A_202 : vector<16xi32>
      %jit3A_204 = arith.constant 0 : i32
      %broadcast_in_dim3A_205 = vector.broadcast %jit3A_204 : i32 to vector<16xi32>
      %select_n3A_206 = arith.select %gt3A_195, %sub3A_203, %broadcast_in_dim3A_205 : vector<16xi1>, vector<16xi32>
      tpu.vector_store_idx %arg21[%select_n3A_206], %add3A_151 masked %gt3A_195 : memref<64xi32, #tpu.memory_space<vmem>>[vector<16xi32>], vector<16xi32>, vector<16xi1>
      %sub3A_207 = arith.constant 1 : i32
      %sub3A_208 = vector.broadcast %sub3A_207 : i32 to vector<16xi32>
      %sub3A_209 = arith.subi %shift_right_arithmetic3A_170, %sub3A_208 : vector<16xi32>
      tpu.vector_store_idx %arg22[%select_n3A_206], %sub3A_209 masked %gt3A_195 : memref<64xi32, #tpu.memory_space<vmem>>[vector<16xi32>], vector<16xi32>, vector<16xi1>
      %all_reduce_population_count3A_210 = tpu.all_reduce %gt3A_195 {dim = 0 : i64, kind = #tpu.reduction_kind<sum>} : vector<16xi1> -> vector<16xi32>
      %add3A_211 = arith.addi %add3A_148, %all_reduce_population_count3A_210 : vector<16xi32>
      %add3A_212 = arith.constant 32 : i32
      %add3A_213 = vector.broadcast %add3A_212 : i32 to vector<16xi32>
      %add3A_214 = arith.addi %iota3A, %add3A_213 : vector<16xi32>
      %eq3A_215 = arith.cmpi eq, %add3A_214, %broadcast_in_dim3A_27 : vector<16xi32>
      %get3A_216 = arith.constant 32 : index
      %get3A_217 = tpu.vector_load %arg16[%get3A_216] {strides = array<i32>} : memref<64xi32, #tpu.memory_space<vmem>>, vector<16xi32>,
      %select_n3A_218 = arith.select %eq3A_215, %broadcast_in_dim3A_28, %get3A_217 : vector<16xi1>, vector<16xi32>
      %ne3A_219 = arith.constant 0 : i32
      %ne3A_220 = vector.broadcast %ne3A_219 : i32 to vector<16xi32>
      %ne3A_221 = arith.cmpi ne, %select_n3A_218, %ne3A_220 : vector<16xi32>
      %jit3A_222 = arith.constant 1 : i32
      %jit3A_223 = arith.constant 0 : i32
      %broadcast_in_dim3A_224 = vector.broadcast %jit3A_222 : i32 to vector<16xi32>
      %broadcast_in_dim3A_225 = vector.broadcast %jit3A_223 : i32 to vector<16xi32>
      %select_n3A_226 = arith.select %ne3A_221, %broadcast_in_dim3A_224, %broadcast_in_dim3A_225 : vector<16xi1>, vector<16xi32>
      %add3A_227 = arith.addi %select_n3A_218, %select_n3A_226 : vector<16xi32>
      %add3A_228 = arith.constant 15 : i32
      %add3A_229 = vector.broadcast %add3A_228 : i32 to vector<16xi32>
      %add3A_230 = arith.addi %add3A_227, %add3A_229 : vector<16xi32>
      %shift_right_arithmetic3A_231 = arith.constant 4 : i32
      %shift_right_arithmetic3A_232 = vector.broadcast %shift_right_arithmetic3A_231 : i32 to vector<16xi32>
      %shift_right_arithmetic3A_233 = arith.shrsi %add3A_230, %shift_right_arithmetic3A_232 : vector<16xi32>
      %eq3A_234 = arith.constant 0 : i32
      %eq3A_235 = vector.broadcast %eq3A_234 : i32 to vector<16xi32>
      %eq3A_236 = arith.cmpi eq, %add3A_227, %eq3A_235 : vector<16xi32>
      %sub3A_237 = arith.constant 1 : i32
      %sub3A_238 = vector.broadcast %sub3A_237 : i32 to vector<16xi32>
      %sub3A_239 = arith.subi %add3A_227, %sub3A_238 : vector<16xi32>
      %and3A_240 = arith.constant 15 : i32
      %and3A_241 = vector.broadcast %and3A_240 : i32 to vector<16xi32>
      %and3A_242 = arith.andi %sub3A_239, %and3A_241 : vector<16xi32>
      %jit3A_243 = arith.constant 0 : i32
      %broadcast_in_dim3A_244 = vector.broadcast %jit3A_243 : i32 to vector<16xi32>
      %select_n3A_245 = arith.select %eq3A_236, %broadcast_in_dim3A_244, %and3A_242 : vector<16xi1>, vector<16xi32>
      %swap3A_246 = arith.constant 32 : index
      %swap3A_247 = tpu.vector_load %arg23[%swap3A_246] {strides = array<i32>} : memref<64xi32, #tpu.memory_space<vmem>>, vector<16xi32>,
      tpu.vector_store %arg23[%swap3A_246], %add3A_227 {strides = array<i32>} : memref<64xi32, #tpu.memory_space<vmem>>, vector<16xi32>,
      %swap3A_248 = arith.constant 32 : index
      %swap3A_249 = tpu.vector_load %arg24[%swap3A_248] {strides = array<i32>} : memref<64xi32, #tpu.memory_space<vmem>>, vector<16xi32>,
      tpu.vector_store %arg24[%swap3A_248], %shift_right_arithmetic3A_233 {strides = array<i32>} : memref<64xi32, #tpu.memory_space<vmem>>, vector<16xi32>,
      %swap3A_250 = arith.constant 32 : index
      %swap3A_251 = tpu.vector_load %arg25[%swap3A_250] {strides = array<i32>} : memref<64xi32, #tpu.memory_space<vmem>>, vector<16xi32>,
      tpu.vector_store %arg25[%swap3A_250], %select_n3A_245 {strides = array<i32>} : memref<64xi32, #tpu.memory_space<vmem>>, vector<16xi32>,
      %get3A_252 = arith.constant 32 : index
      %get3A_253 = tpu.vector_load %arg17[%get3A_252] {strides = array<i32>} : memref<64xi32, #tpu.memory_space<vmem>>, vector<16xi32>,
      %select_n3A_254 = arith.select %eq3A_215, %broadcast_in_dim3A_29, %get3A_253 : vector<16xi1>, vector<16xi32>
      %sub3A_255 = arith.subi %shift_right_arithmetic3A_233, %select_n3A_254 : vector<16xi32>
      %gt3A_256 = arith.constant 0 : i32
      %gt3A_257 = vector.broadcast %gt3A_256 : i32 to vector<16xi32>
      %gt3A_258 = arith.cmpi sgt, %sub3A_255, %gt3A_257 : vector<16xi32>
      %select_n3A_259 = arith.select %gt3A_258, %broadcast_in_dim3A_6, %broadcast_in_dim3A_4 : vector<16xi1>, vector<16xi32>
      %broadcast_in_dim3A_260 = arith.constant true
      %broadcast_in_dim3A_261 = vector.broadcast %broadcast_in_dim3A_260 : i1 to vector<16xi1>
      %masked_cumsum3A_262 = tpu.scan <sum>, %select_n3A_259 masked %broadcast_in_dim3A_261 : vector<16xi32>, vector<16xi1> -> vector<16xi32>
      %add3A_263 = arith.addi %add3A_211, %masked_cumsum3A_262 : vector<16xi32>
      %sub3A_264 = arith.constant 1 : i32
      %sub3A_265 = vector.broadcast %sub3A_264 : i32 to vector<16xi32>
      %sub3A_266 = arith.subi %add3A_263, %sub3A_265 : vector<16xi32>
      %jit3A_267 = arith.constant 0 : i32
      %broadcast_in_dim3A_268 = vector.broadcast %jit3A_267 : i32 to vector<16xi32>
      %select_n3A_269 = arith.select %gt3A_258, %sub3A_266, %broadcast_in_dim3A_268 : vector<16xi1>, vector<16xi32>
      tpu.vector_store_idx %arg21[%select_n3A_269], %add3A_214 masked %gt3A_258 : memref<64xi32, #tpu.memory_space<vmem>>[vector<16xi32>], vector<16xi32>, vector<16xi1>
      %sub3A_270 = arith.constant 1 : i32
      %sub3A_271 = vector.broadcast %sub3A_270 : i32 to vector<16xi32>
      %sub3A_272 = arith.subi %shift_right_arithmetic3A_233, %sub3A_271 : vector<16xi32>
      tpu.vector_store_idx %arg22[%select_n3A_269], %sub3A_272 masked %gt3A_258 : memref<64xi32, #tpu.memory_space<vmem>>[vector<16xi32>], vector<16xi32>, vector<16xi1>
      %all_reduce_population_count3A_273 = tpu.all_reduce %gt3A_258 {dim = 0 : i64, kind = #tpu.reduction_kind<sum>} : vector<16xi1> -> vector<16xi32>
      %add3A_274 = arith.addi %add3A_211, %all_reduce_population_count3A_273 : vector<16xi32>
      %add3A_275 = arith.constant 48 : i32
      %add3A_276 = vector.broadcast %add3A_275 : i32 to vector<16xi32>
      %add3A_277 = arith.addi %iota3A, %add3A_276 : vector<16xi32>
      %eq3A_278 = arith.cmpi eq, %add3A_277, %broadcast_in_dim3A_27 : vector<16xi32>
      %get3A_279 = arith.constant 48 : index
      %get3A_280 = tpu.vector_load %arg16[%get3A_279] {strides = array<i32>} : memref<64xi32, #tpu.memory_space<vmem>>, vector<16xi32>,
      %select_n3A_281 = arith.select %eq3A_278, %broadcast_in_dim3A_28, %get3A_280 : vector<16xi1>, vector<16xi32>
      %ne3A_282 = arith.constant 0 : i32
      %ne3A_283 = vector.broadcast %ne3A_282 : i32 to vector<16xi32>
      %ne3A_284 = arith.cmpi ne, %select_n3A_281, %ne3A_283 : vector<16xi32>
      %jit3A_285 = arith.constant 1 : i32
      %jit3A_286 = arith.constant 0 : i32
      %broadcast_in_dim3A_287 = vector.broadcast %jit3A_285 : i32 to vector<16xi32>
      %broadcast_in_dim3A_288 = vector.broadcast %jit3A_286 : i32 to vector<16xi32>
      %select_n3A_289 = arith.select %ne3A_284, %broadcast_in_dim3A_287, %broadcast_in_dim3A_288 : vector<16xi1>, vector<16xi32>
      %add3A_290 = arith.addi %select_n3A_281, %select_n3A_289 : vector<16xi32>
      %add3A_291 = arith.constant 15 : i32
      %add3A_292 = vector.broadcast %add3A_291 : i32 to vector<16xi32>
      %add3A_293 = arith.addi %add3A_290, %add3A_292 : vector<16xi32>
      %shift_right_arithmetic3A_294 = arith.constant 4 : i32
      %shift_right_arithmetic3A_295 = vector.broadcast %shift_right_arithmetic3A_294 : i32 to vector<16xi32>
      %shift_right_arithmetic3A_296 = arith.shrsi %add3A_293, %shift_right_arithmetic3A_295 : vector<16xi32>
      %eq3A_297 = arith.constant 0 : i32
      %eq3A_298 = vector.broadcast %eq3A_297 : i32 to vector<16xi32>
      %eq3A_299 = arith.cmpi eq, %add3A_290, %eq3A_298 : vector<16xi32>
      %sub3A_300 = arith.constant 1 : i32
      %sub3A_301 = vector.broadcast %sub3A_300 : i32 to vector<16xi32>
      %sub3A_302 = arith.subi %add3A_290, %sub3A_301 : vector<16xi32>
      %and3A_303 = arith.constant 15 : i32
      %and3A_304 = vector.broadcast %and3A_303 : i32 to vector<16xi32>
      %and3A_305 = arith.andi %sub3A_302, %and3A_304 : vector<16xi32>
      %jit3A_306 = arith.constant 0 : i32
      %broadcast_in_dim3A_307 = vector.broadcast %jit3A_306 : i32 to vector<16xi32>
      %select_n3A_308 = arith.select %eq3A_299, %broadcast_in_dim3A_307, %and3A_305 : vector<16xi1>, vector<16xi32>
      %swap3A_309 = arith.constant 48 : index
      %swap3A_310 = tpu.vector_load %arg23[%swap3A_309] {strides = array<i32>} : memref<64xi32, #tpu.memory_space<vmem>>, vector<16xi32>,
      tpu.vector_store %arg23[%swap3A_309], %add3A_290 {strides = array<i32>} : memref<64xi32, #tpu.memory_space<vmem>>, vector<16xi32>,
      %swap3A_311 = arith.constant 48 : index
      %swap3A_312 = tpu.vector_load %arg24[%swap3A_311] {strides = array<i32>} : memref<64xi32, #tpu.memory_space<vmem>>, vector<16xi32>,
      tpu.vector_store %arg24[%swap3A_311], %shift_right_arithmetic3A_296 {strides = array<i32>} : memref<64xi32, #tpu.memory_space<vmem>>, vector<16xi32>,
      %swap3A_313 = arith.constant 48 : index
      %swap3A_314 = tpu.vector_load %arg25[%swap3A_313] {strides = array<i32>} : memref<64xi32, #tpu.memory_space<vmem>>, vector<16xi32>,
      tpu.vector_store %arg25[%swap3A_313], %select_n3A_308 {strides = array<i32>} : memref<64xi32, #tpu.memory_space<vmem>>, vector<16xi32>,
      %get3A_315 = arith.constant 48 : index
      %get3A_316 = tpu.vector_load %arg17[%get3A_315] {strides = array<i32>} : memref<64xi32, #tpu.memory_space<vmem>>, vector<16xi32>,
      %select_n3A_317 = arith.select %eq3A_278, %broadcast_in_dim3A_29, %get3A_316 : vector<16xi1>, vector<16xi32>
      %sub3A_318 = arith.subi %shift_right_arithmetic3A_296, %select_n3A_317 : vector<16xi32>
      %gt3A_319 = arith.constant 0 : i32
      %gt3A_320 = vector.broadcast %gt3A_319 : i32 to vector<16xi32>
      %gt3A_321 = arith.cmpi sgt, %sub3A_318, %gt3A_320 : vector<16xi32>
      %select_n3A_322 = arith.select %gt3A_321, %broadcast_in_dim3A_6, %broadcast_in_dim3A_4 : vector<16xi1>, vector<16xi32>
      %broadcast_in_dim3A_323 = arith.constant true
      %broadcast_in_dim3A_324 = vector.broadcast %broadcast_in_dim3A_323 : i1 to vector<16xi1>
      %masked_cumsum3A_325 = tpu.scan <sum>, %select_n3A_322 masked %broadcast_in_dim3A_324 : vector<16xi32>, vector<16xi1> -> vector<16xi32>
      %add3A_326 = arith.addi %add3A_274, %masked_cumsum3A_325 : vector<16xi32>
      %sub3A_327 = arith.constant 1 : i32
      %sub3A_328 = vector.broadcast %sub3A_327 : i32 to vector<16xi32>
      %sub3A_329 = arith.subi %add3A_326, %sub3A_328 : vector<16xi32>
      %jit3A_330 = arith.constant 0 : i32
      %broadcast_in_dim3A_331 = vector.broadcast %jit3A_330 : i32 to vector<16xi32>
      %select_n3A_332 = arith.select %gt3A_321, %sub3A_329, %broadcast_in_dim3A_331 : vector<16xi1>, vector<16xi32>
      tpu.vector_store_idx %arg21[%select_n3A_332], %add3A_277 masked %gt3A_321 : memref<64xi32, #tpu.memory_space<vmem>>[vector<16xi32>], vector<16xi32>, vector<16xi1>
      %sub3A_333 = arith.constant 1 : i32
      %sub3A_334 = vector.broadcast %sub3A_333 : i32 to vector<16xi32>
      %sub3A_335 = arith.subi %shift_right_arithmetic3A_296, %sub3A_334 : vector<16xi32>
      tpu.vector_store_idx %arg22[%select_n3A_332], %sub3A_335 masked %gt3A_321 : memref<64xi32, #tpu.memory_space<vmem>>[vector<16xi32>], vector<16xi32>, vector<16xi1>
      %all_reduce_population_count3A_336 = tpu.all_reduce %gt3A_321 {dim = 0 : i64, kind = #tpu.reduction_kind<sum>} : vector<16xi1> -> vector<16xi32>
      %add3A_337 = arith.addi %add3A_274, %all_reduce_population_count3A_336 : vector<16xi32>
      %add3A_338 = arith.addi %broadcast_in_dim3A_29, %add3A_337 : vector<16xi32>
      %eq3A_339 = arith.constant 0 : i32
      %eq3A_340 = vector.broadcast %eq3A_339 : i32 to vector<16xi32>
      %eq3A_341 = arith.cmpi eq, %iota3A, %eq3A_340 : vector<16xi32>
      %jit3A_342 = arith.constant 0 : i32
      %broadcast_in_dim3A_343 = vector.broadcast %jit3A_342 : i32 to vector<16xi32>
      %select_n3A_344 = arith.select %eq3A_341, %add3A_337, %broadcast_in_dim3A_343 : vector<16xi1>, vector<16xi32>
      %reduce_sum3A_345 = arith.constant true
      %reduce_sum3A_346 = vector.broadcast %reduce_sum3A_345 : i1 to vector<16xi1>
      %reduce_sum3A_347 = tpu.scan <sum>, %select_n3A_344 masked %reduce_sum3A_346 : vector<16xi32>, vector<16xi1> -> vector<16xi32>
      %reduce_sum3A_348 = vector.extract %reduce_sum3A_347[15] : i32 from vector<16xi32>
      %add3A_349 = arith.addi %shift_right_arithmetic3A_26, %reduce_sum3A_348 : i32
      tpu.enqueue_dma source(%arg23 : memref<64xi32, #tpu.memory_space<vmem>>) target(%arg10 : memref<64xi32, #tpu.memory_space<hbm>>) target_semaphore(%arg28 : memref<!tpu.dma_semaphore, #tpu.memory_space<semaphore_mem>>)
      tpu.enqueue_dma source(%arg24 : memref<64xi32, #tpu.memory_space<vmem>>) target(%arg11 : memref<64xi32, #tpu.memory_space<hbm>>) target_semaphore(%arg29 : memref<!tpu.dma_semaphore, #tpu.memory_space<semaphore_mem>>)
      tpu.enqueue_dma source(%arg25 : memref<64xi32, #tpu.memory_space<vmem>>) target(%arg13 : memref<64xi32, #tpu.memory_space<hbm>>) target_semaphore(%arg31 : memref<!tpu.dma_semaphore, #tpu.memory_space<semaphore_mem>>)
      tpu.wait_dma2 semaphore(%arg26 : memref<!tpu.dma_semaphore, #tpu.memory_space<semaphore_mem>>) src(%arg2 : memref<2048xi32, #tpu.memory_space<hbm>>) dst(%arg14 : memref<2048xi32, #tpu.memory_space<vmem>>)
      tpu.wait_dma2 semaphore(%arg27 : memref<!tpu.dma_semaphore, #tpu.memory_space<semaphore_mem>>) src(%arg3 : memref<64x128xi32, #tpu.memory_space<hbm>>) dst(%arg15 : memref<64x128xi32, #tpu.memory_space<vmem>>)
      %scan3A = arith.constant 0 : i32
      %scan3A_350 = arith.constant 0 : i32
      %scan3A_351 = arith.constant 8 : i32
      %scan3A_352 = arith.addi %scan3A_350, %scan3A_351 : i32
      %scan3A_353 = arith.constant 1 : i32
      scf.for %scan3A_431 = %scan3A_350 to %scan3A_352 step %scan3A_353  : i32 {
        %mul3A = arith.constant 16 : i32
        %mul3A_432 = arith.muli %mul3A, %scan3A_431 : i32
        %add3A_433 = vector.broadcast %mul3A_432 : i32 to vector<16xi32>
        %add3A_434 = arith.addi %iota3A, %add3A_433 : vector<16xi32>
        %gather3A_435 = tpu.vector_load_idx %arg15[%broadcast_in_dim3A_27, %add3A_434] : memref<64x128xi32, #tpu.memory_space<vmem>>[vector<16xi32>, vector<16xi32>], vector<16xi32>,
        %lt3A_436 = arith.cmpi slt, %add3A_434, %broadcast_in_dim3A_91 : vector<16xi32>
        %jit3A_437 = arith.constant 0 : i32
        %broadcast_in_dim3A_438 = vector.broadcast %jit3A_437 : i32 to vector<16xi32>
        %select_n3A_439 = arith.select %lt3A_436, %gather3A_435, %broadcast_in_dim3A_438 : vector<16xi1>, vector<16xi32>
        tpu.vector_store_idx %arg14[%select_n3A_439], %broadcast_in_dim3A_4 masked %lt3A_436 : memref<2048xi32, #tpu.memory_space<vmem>>[vector<16xi32>], vector<16xi32>, vector<16xi1>
        tpu.vector_store_idx %arg15[%broadcast_in_dim3A_27, %add3A_434], %broadcast_in_dim3A_4 : memref<64x128xi32, #tpu.memory_space<vmem>>[vector<16xi32>, vector<16xi32>], vector<16xi32>,
      }
      %scan3A_354 = arith.constant 8 : i32
      %while3A = arith.constant 0 : i32
      %while3A_355:2 = scf.while (%while3A_431 = %while3A, %while3A_432 = %broadcast_in_dim3A_4) : (i32, vector<16xi32>) -> (i32, vector<16xi32>) {
        %eq3A_433 = arith.constant 0 : i32
        %eq3A_434 = vector.broadcast %eq3A_433 : i32 to vector<16xi32>
        %eq3A_435 = arith.cmpi eq, %iota3A, %eq3A_434 : vector<16xi32>
        %jit3A_436 = arith.constant 0 : i32
        %broadcast_in_dim3A_437 = vector.broadcast %jit3A_436 : i32 to vector<16xi32>
        %select_n3A_438 = arith.select %eq3A_435, %while3A_432, %broadcast_in_dim3A_437 : vector<16xi1>, vector<16xi32>
        %reduce_sum3A_439 = arith.constant true
        %reduce_sum3A_440 = vector.broadcast %reduce_sum3A_439 : i1 to vector<16xi1>
        %reduce_sum3A_441 = tpu.scan <sum>, %select_n3A_438 masked %reduce_sum3A_440 : vector<16xi32>, vector<16xi1> -> vector<16xi32>
        %reduce_sum3A_442 = vector.extract %reduce_sum3A_441[15] : i32 from vector<16xi32>
        %lt3A_443 = arith.constant 16 : i32
        %lt3A_444 = arith.cmpi slt, %while3A_431, %lt3A_443 : i32
        %lt3A_445 = arith.cmpi slt, %reduce_sum3A_442, %add3A_349 : i32
        %and3A_446 = arith.andi %lt3A_444, %lt3A_445 : i1
        scf.condition(%and3A_446) %while3A_431, %while3A_432 : i32, vector<16xi32>
      } do {
      ^bb0(%while3A_431: i32, %while3A_432: vector<16xi32>):
        %add3A_433 = arith.constant 1 : i32
        %add3A_434 = arith.addi %while3A_431, %add3A_433 : i32
        %mul3A = arith.constant 128 : i32
        %mul3A_435 = arith.muli %while3A_431, %mul3A : i32
        %add3A_436 = arith.constant 0 : i32
        %add3A_437 = arith.addi %mul3A_435, %add3A_436 : i32
        %add3A_438 = vector.broadcast %add3A_437 : i32 to vector<16xi32>
        %add3A_439 = arith.addi %iota3A, %add3A_438 : vector<16xi32>
        %get3A_440 = arith.index_cast %add3A_437 : i32 to index
        %get3A_441 = tpu.vector_load %arg14[%get3A_440] {strides = array<i32>} : memref<2048xi32, #tpu.memory_space<vmem>>, vector<16xi32>,
        %eq3A_442 = arith.constant 0 : i32
        %eq3A_443 = vector.broadcast %eq3A_442 : i32 to vector<16xi32>
        %eq3A_444 = arith.cmpi eq, %get3A_441, %eq3A_443 : vector<16xi32>
        %gt3A_445 = arith.constant 0 : i32
        %gt3A_446 = vector.broadcast %gt3A_445 : i32 to vector<16xi32>
        %gt3A_447 = arith.cmpi sgt, %add3A_439, %gt3A_446 : vector<16xi32>
        %and3A_448 = arith.andi %eq3A_444, %gt3A_447 : vector<16xi1>
        %select_n3A_449 = arith.select %and3A_448, %broadcast_in_dim3A_6, %broadcast_in_dim3A_4 : vector<16xi1>, vector<16xi32>
        %broadcast_in_dim3A_450 = arith.constant true
        %broadcast_in_dim3A_451 = vector.broadcast %broadcast_in_dim3A_450 : i1 to vector<16xi1>
        %masked_cumsum3A_452 = tpu.scan <sum>, %select_n3A_449 masked %broadcast_in_dim3A_451 : vector<16xi32>, vector<16xi1> -> vector<16xi32>
        %add3A_453 = arith.addi %while3A_432, %masked_cumsum3A_452 : vector<16xi32>
        %le3A = arith.cmpi sle, %add3A_453, %add3A_338 : vector<16xi32>
        %and3A_454 = arith.andi %and3A_448, %le3A : vector<16xi1>
        %sub3A_455 = arith.constant 1 : i32
        %sub3A_456 = vector.broadcast %sub3A_455 : i32 to vector<16xi32>
        %sub3A_457 = arith.subi %add3A_453, %sub3A_456 : vector<16xi32>
        %jit3A_458 = arith.constant 0 : i32
        %broadcast_in_dim3A_459 = vector.broadcast %jit3A_458 : i32 to vector<16xi32>
        %select_n3A_460 = arith.select %and3A_454, %sub3A_457, %broadcast_in_dim3A_459 : vector<16xi1>, vector<16xi32>
        tpu.vector_store_idx %arg20[%select_n3A_460], %add3A_439 masked %and3A_454 : memref<256xi32, #tpu.memory_space<vmem>>[vector<16xi32>], vector<16xi32>, vector<16xi1>
        %jit3A_461 = arith.constant 1 : i32
        %broadcast_in_dim3A_462 = vector.broadcast %jit3A_461 : i32 to vector<16xi32>
        %select_n3A_463 = arith.select %and3A_454, %broadcast_in_dim3A_462, %get3A_441 : vector<16xi1>, vector<16xi32>
        %swap3A_464 = arith.index_cast %add3A_437 : i32 to index
        %swap3A_465 = tpu.vector_load %arg14[%swap3A_464] {strides = array<i32>} : memref<2048xi32, #tpu.memory_space<vmem>>, vector<16xi32>,
        tpu.vector_store %arg14[%swap3A_464], %select_n3A_463 {strides = array<i32>} : memref<2048xi32, #tpu.memory_space<vmem>>, vector<16xi32>,
        %all_reduce_population_count3A_466 = tpu.all_reduce %and3A_448 {dim = 0 : i64, kind = #tpu.reduction_kind<sum>} : vector<16xi1> -> vector<16xi32>
        %add3A_467 = arith.addi %while3A_432, %all_reduce_population_count3A_466 : vector<16xi32>
        %add3A_468 = arith.constant 16 : i32
        %add3A_469 = arith.addi %mul3A_435, %add3A_468 : i32
        %add3A_470 = vector.broadcast %add3A_469 : i32 to vector<16xi32>
        %add3A_471 = arith.addi %iota3A, %add3A_470 : vector<16xi32>
        %get3A_472 = arith.index_cast %add3A_469 : i32 to index
        %get3A_473 = tpu.vector_load %arg14[%get3A_472] {strides = array<i32>} : memref<2048xi32, #tpu.memory_space<vmem>>, vector<16xi32>,
        %eq3A_474 = arith.constant 0 : i32
        %eq3A_475 = vector.broadcast %eq3A_474 : i32 to vector<16xi32>
        %eq3A_476 = arith.cmpi eq, %get3A_473, %eq3A_475 : vector<16xi32>
        %gt3A_477 = arith.constant 0 : i32
        %gt3A_478 = vector.broadcast %gt3A_477 : i32 to vector<16xi32>
        %gt3A_479 = arith.cmpi sgt, %add3A_471, %gt3A_478 : vector<16xi32>
        %and3A_480 = arith.andi %eq3A_476, %gt3A_479 : vector<16xi1>
        %select_n3A_481 = arith.select %and3A_480, %broadcast_in_dim3A_6, %broadcast_in_dim3A_4 : vector<16xi1>, vector<16xi32>
        %broadcast_in_dim3A_482 = arith.constant true
        %broadcast_in_dim3A_483 = vector.broadcast %broadcast_in_dim3A_482 : i1 to vector<16xi1>
        %masked_cumsum3A_484 = tpu.scan <sum>, %select_n3A_481 masked %broadcast_in_dim3A_483 : vector<16xi32>, vector<16xi1> -> vector<16xi32>
        %add3A_485 = arith.addi %add3A_467, %masked_cumsum3A_484 : vector<16xi32>
        %le3A_486 = arith.cmpi sle, %add3A_485, %add3A_338 : vector<16xi32>
        %and3A_487 = arith.andi %and3A_480, %le3A_486 : vector<16xi1>
        %sub3A_488 = arith.constant 1 : i32
        %sub3A_489 = vector.broadcast %sub3A_488 : i32 to vector<16xi32>
        %sub3A_490 = arith.subi %add3A_485, %sub3A_489 : vector<16xi32>
        %jit3A_491 = arith.constant 0 : i32
        %broadcast_in_dim3A_492 = vector.broadcast %jit3A_491 : i32 to vector<16xi32>
        %select_n3A_493 = arith.select %and3A_487, %sub3A_490, %broadcast_in_dim3A_492 : vector<16xi1>, vector<16xi32>
        tpu.vector_store_idx %arg20[%select_n3A_493], %add3A_471 masked %and3A_487 : memref<256xi32, #tpu.memory_space<vmem>>[vector<16xi32>], vector<16xi32>, vector<16xi1>
        %jit3A_494 = arith.constant 1 : i32
        %broadcast_in_dim3A_495 = vector.broadcast %jit3A_494 : i32 to vector<16xi32>
        %select_n3A_496 = arith.select %and3A_487, %broadcast_in_dim3A_495, %get3A_473 : vector<16xi1>, vector<16xi32>
        %swap3A_497 = arith.index_cast %add3A_469 : i32 to index
        %swap3A_498 = tpu.vector_load %arg14[%swap3A_497] {strides = array<i32>} : memref<2048xi32, #tpu.memory_space<vmem>>, vector<16xi32>,
        tpu.vector_store %arg14[%swap3A_497], %select_n3A_496 {strides = array<i32>} : memref<2048xi32, #tpu.memory_space<vmem>>, vector<16xi32>,
        %all_reduce_population_count3A_499 = tpu.all_reduce %and3A_480 {dim = 0 : i64, kind = #tpu.reduction_kind<sum>} : vector<16xi1> -> vector<16xi32>
        %add3A_500 = arith.addi %add3A_467, %all_reduce_population_count3A_499 : vector<16xi32>
        %add3A_501 = arith.constant 32 : i32
        %add3A_502 = arith.addi %mul3A_435, %add3A_501 : i32
        %add3A_503 = vector.broadcast %add3A_502 : i32 to vector<16xi32>
        %add3A_504 = arith.addi %iota3A, %add3A_503 : vector<16xi32>
        %get3A_505 = arith.index_cast %add3A_502 : i32 to index
        %get3A_506 = tpu.vector_load %arg14[%get3A_505] {strides = array<i32>} : memref<2048xi32, #tpu.memory_space<vmem>>, vector<16xi32>,
        %eq3A_507 = arith.constant 0 : i32
        %eq3A_508 = vector.broadcast %eq3A_507 : i32 to vector<16xi32>
        %eq3A_509 = arith.cmpi eq, %get3A_506, %eq3A_508 : vector<16xi32>
        %gt3A_510 = arith.constant 0 : i32
        %gt3A_511 = vector.broadcast %gt3A_510 : i32 to vector<16xi32>
        %gt3A_512 = arith.cmpi sgt, %add3A_504, %gt3A_511 : vector<16xi32>
        %and3A_513 = arith.andi %eq3A_509, %gt3A_512 : vector<16xi1>
        %select_n3A_514 = arith.select %and3A_513, %broadcast_in_dim3A_6, %broadcast_in_dim3A_4 : vector<16xi1>, vector<16xi32>
        %broadcast_in_dim3A_515 = arith.constant true
        %broadcast_in_dim3A_516 = vector.broadcast %broadcast_in_dim3A_515 : i1 to vector<16xi1>
        %masked_cumsum3A_517 = tpu.scan <sum>, %select_n3A_514 masked %broadcast_in_dim3A_516 : vector<16xi32>, vector<16xi1> -> vector<16xi32>
        %add3A_518 = arith.addi %add3A_500, %masked_cumsum3A_517 : vector<16xi32>
        %le3A_519 = arith.cmpi sle, %add3A_518, %add3A_338 : vector<16xi32>
        %and3A_520 = arith.andi %and3A_513, %le3A_519 : vector<16xi1>
        %sub3A_521 = arith.constant 1 : i32
        %sub3A_522 = vector.broadcast %sub3A_521 : i32 to vector<16xi32>
        %sub3A_523 = arith.subi %add3A_518, %sub3A_522 : vector<16xi32>
        %jit3A_524 = arith.constant 0 : i32
        %broadcast_in_dim3A_525 = vector.broadcast %jit3A_524 : i32 to vector<16xi32>
        %select_n3A_526 = arith.select %and3A_520, %sub3A_523, %broadcast_in_dim3A_525 : vector<16xi1>, vector<16xi32>
        tpu.vector_store_idx %arg20[%select_n3A_526], %add3A_504 masked %and3A_520 : memref<256xi32, #tpu.memory_space<vmem>>[vector<16xi32>], vector<16xi32>, vector<16xi1>
        %jit3A_527 = arith.constant 1 : i32
        %broadcast_in_dim3A_528 = vector.broadcast %jit3A_527 : i32 to vector<16xi32>
        %select_n3A_529 = arith.select %and3A_520, %broadcast_in_dim3A_528, %get3A_506 : vector<16xi1>, vector<16xi32>
        %swap3A_530 = arith.index_cast %add3A_502 : i32 to index
        %swap3A_531 = tpu.vector_load %arg14[%swap3A_530] {strides = array<i32>} : memref<2048xi32, #tpu.memory_space<vmem>>, vector<16xi32>,
        tpu.vector_store %arg14[%swap3A_530], %select_n3A_529 {strides = array<i32>} : memref<2048xi32, #tpu.memory_space<vmem>>, vector<16xi32>,
        %all_reduce_population_count3A_532 = tpu.all_reduce %and3A_513 {dim = 0 : i64, kind = #tpu.reduction_kind<sum>} : vector<16xi1> -> vector<16xi32>
        %add3A_533 = arith.addi %add3A_500, %all_reduce_population_count3A_532 : vector<16xi32>
        %add3A_534 = arith.constant 48 : i32
        %add3A_535 = arith.addi %mul3A_435, %add3A_534 : i32
        %add3A_536 = vector.broadcast %add3A_535 : i32 to vector<16xi32>
        %add3A_537 = arith.addi %iota3A, %add3A_536 : vector<16xi32>
        %get3A_538 = arith.index_cast %add3A_535 : i32 to index
        %get3A_539 = tpu.vector_load %arg14[%get3A_538] {strides = array<i32>} : memref<2048xi32, #tpu.memory_space<vmem>>, vector<16xi32>,
        %eq3A_540 = arith.constant 0 : i32
        %eq3A_541 = vector.broadcast %eq3A_540 : i32 to vector<16xi32>
        %eq3A_542 = arith.cmpi eq, %get3A_539, %eq3A_541 : vector<16xi32>
        %gt3A_543 = arith.constant 0 : i32
        %gt3A_544 = vector.broadcast %gt3A_543 : i32 to vector<16xi32>
        %gt3A_545 = arith.cmpi sgt, %add3A_537, %gt3A_544 : vector<16xi32>
        %and3A_546 = arith.andi %eq3A_542, %gt3A_545 : vector<16xi1>
        %select_n3A_547 = arith.select %and3A_546, %broadcast_in_dim3A_6, %broadcast_in_dim3A_4 : vector<16xi1>, vector<16xi32>
        %broadcast_in_dim3A_548 = arith.constant true
        %broadcast_in_dim3A_549 = vector.broadcast %broadcast_in_dim3A_548 : i1 to vector<16xi1>
        %masked_cumsum3A_550 = tpu.scan <sum>, %select_n3A_547 masked %broadcast_in_dim3A_549 : vector<16xi32>, vector<16xi1> -> vector<16xi32>
        %add3A_551 = arith.addi %add3A_533, %masked_cumsum3A_550 : vector<16xi32>
        %le3A_552 = arith.cmpi sle, %add3A_551, %add3A_338 : vector<16xi32>
        %and3A_553 = arith.andi %and3A_546, %le3A_552 : vector<16xi1>
        %sub3A_554 = arith.constant 1 : i32
        %sub3A_555 = vector.broadcast %sub3A_554 : i32 to vector<16xi32>
        %sub3A_556 = arith.subi %add3A_551, %sub3A_555 : vector<16xi32>
        %jit3A_557 = arith.constant 0 : i32
        %broadcast_in_dim3A_558 = vector.broadcast %jit3A_557 : i32 to vector<16xi32>
        %select_n3A_559 = arith.select %and3A_553, %sub3A_556, %broadcast_in_dim3A_558 : vector<16xi1>, vector<16xi32>
        tpu.vector_store_idx %arg20[%select_n3A_559], %add3A_537 masked %and3A_553 : memref<256xi32, #tpu.memory_space<vmem>>[vector<16xi32>], vector<16xi32>, vector<16xi1>
        %jit3A_560 = arith.constant 1 : i32
        %broadcast_in_dim3A_561 = vector.broadcast %jit3A_560 : i32 to vector<16xi32>
        %select_n3A_562 = arith.select %and3A_553, %broadcast_in_dim3A_561, %get3A_539 : vector<16xi1>, vector<16xi32>
        %swap3A_563 = arith.index_cast %add3A_535 : i32 to index
        %swap3A_564 = tpu.vector_load %arg14[%swap3A_563] {strides = array<i32>} : memref<2048xi32, #tpu.memory_space<vmem>>, vector<16xi32>,
        tpu.vector_store %arg14[%swap3A_563], %select_n3A_562 {strides = array<i32>} : memref<2048xi32, #tpu.memory_space<vmem>>, vector<16xi32>,
        %all_reduce_population_count3A_565 = tpu.all_reduce %and3A_546 {dim = 0 : i64, kind = #tpu.reduction_kind<sum>} : vector<16xi1> -> vector<16xi32>
        %add3A_566 = arith.addi %add3A_533, %all_reduce_population_count3A_565 : vector<16xi32>
        %add3A_567 = arith.constant 64 : i32
        %add3A_568 = arith.addi %mul3A_435, %add3A_567 : i32
        %add3A_569 = vector.broadcast %add3A_568 : i32 to vector<16xi32>
        %add3A_570 = arith.addi %iota3A, %add3A_569 : vector<16xi32>
        %get3A_571 = arith.index_cast %add3A_568 : i32 to index
        %get3A_572 = tpu.vector_load %arg14[%get3A_571] {strides = array<i32>} : memref<2048xi32, #tpu.memory_space<vmem>>, vector<16xi32>,
        %eq3A_573 = arith.constant 0 : i32
        %eq3A_574 = vector.broadcast %eq3A_573 : i32 to vector<16xi32>
        %eq3A_575 = arith.cmpi eq, %get3A_572, %eq3A_574 : vector<16xi32>
        %gt3A_576 = arith.constant 0 : i32
        %gt3A_577 = vector.broadcast %gt3A_576 : i32 to vector<16xi32>
        %gt3A_578 = arith.cmpi sgt, %add3A_570, %gt3A_577 : vector<16xi32>
        %and3A_579 = arith.andi %eq3A_575, %gt3A_578 : vector<16xi1>
        %select_n3A_580 = arith.select %and3A_579, %broadcast_in_dim3A_6, %broadcast_in_dim3A_4 : vector<16xi1>, vector<16xi32>
        %broadcast_in_dim3A_581 = arith.constant true
        %broadcast_in_dim3A_582 = vector.broadcast %broadcast_in_dim3A_581 : i1 to vector<16xi1>
        %masked_cumsum3A_583 = tpu.scan <sum>, %select_n3A_580 masked %broadcast_in_dim3A_582 : vector<16xi32>, vector<16xi1> -> vector<16xi32>
        %add3A_584 = arith.addi %add3A_566, %masked_cumsum3A_583 : vector<16xi32>
        %le3A_585 = arith.cmpi sle, %add3A_584, %add3A_338 : vector<16xi32>
        %and3A_586 = arith.andi %and3A_579, %le3A_585 : vector<16xi1>
        %sub3A_587 = arith.constant 1 : i32
        %sub3A_588 = vector.broadcast %sub3A_587 : i32 to vector<16xi32>
        %sub3A_589 = arith.subi %add3A_584, %sub3A_588 : vector<16xi32>
        %jit3A_590 = arith.constant 0 : i32
        %broadcast_in_dim3A_591 = vector.broadcast %jit3A_590 : i32 to vector<16xi32>
        %select_n3A_592 = arith.select %and3A_586, %sub3A_589, %broadcast_in_dim3A_591 : vector<16xi1>, vector<16xi32>
        tpu.vector_store_idx %arg20[%select_n3A_592], %add3A_570 masked %and3A_586 : memref<256xi32, #tpu.memory_space<vmem>>[vector<16xi32>], vector<16xi32>, vector<16xi1>
        %jit3A_593 = arith.constant 1 : i32
        %broadcast_in_dim3A_594 = vector.broadcast %jit3A_593 : i32 to vector<16xi32>
        %select_n3A_595 = arith.select %and3A_586, %broadcast_in_dim3A_594, %get3A_572 : vector<16xi1>, vector<16xi32>
        %swap3A_596 = arith.index_cast %add3A_568 : i32 to index
        %swap3A_597 = tpu.vector_load %arg14[%swap3A_596] {strides = array<i32>} : memref<2048xi32, #tpu.memory_space<vmem>>, vector<16xi32>,
        tpu.vector_store %arg14[%swap3A_596], %select_n3A_595 {strides = array<i32>} : memref<2048xi32, #tpu.memory_space<vmem>>, vector<16xi32>,
        %all_reduce_population_count3A_598 = tpu.all_reduce %and3A_579 {dim = 0 : i64, kind = #tpu.reduction_kind<sum>} : vector<16xi1> -> vector<16xi32>
        %add3A_599 = arith.addi %add3A_566, %all_reduce_population_count3A_598 : vector<16xi32>
        %add3A_600 = arith.constant 80 : i32
        %add3A_601 = arith.addi %mul3A_435, %add3A_600 : i32
        %add3A_602 = vector.broadcast %add3A_601 : i32 to vector<16xi32>
        %add3A_603 = arith.addi %iota3A, %add3A_602 : vector<16xi32>
        %get3A_604 = arith.index_cast %add3A_601 : i32 to index
        %get3A_605 = tpu.vector_load %arg14[%get3A_604] {strides = array<i32>} : memref<2048xi32, #tpu.memory_space<vmem>>, vector<16xi32>,
        %eq3A_606 = arith.constant 0 : i32
        %eq3A_607 = vector.broadcast %eq3A_606 : i32 to vector<16xi32>
        %eq3A_608 = arith.cmpi eq, %get3A_605, %eq3A_607 : vector<16xi32>
        %gt3A_609 = arith.constant 0 : i32
        %gt3A_610 = vector.broadcast %gt3A_609 : i32 to vector<16xi32>
        %gt3A_611 = arith.cmpi sgt, %add3A_603, %gt3A_610 : vector<16xi32>
        %and3A_612 = arith.andi %eq3A_608, %gt3A_611 : vector<16xi1>
        %select_n3A_613 = arith.select %and3A_612, %broadcast_in_dim3A_6, %broadcast_in_dim3A_4 : vector<16xi1>, vector<16xi32>
        %broadcast_in_dim3A_614 = arith.constant true
        %broadcast_in_dim3A_615 = vector.broadcast %broadcast_in_dim3A_614 : i1 to vector<16xi1>
        %masked_cumsum3A_616 = tpu.scan <sum>, %select_n3A_613 masked %broadcast_in_dim3A_615 : vector<16xi32>, vector<16xi1> -> vector<16xi32>
        %add3A_617 = arith.addi %add3A_599, %masked_cumsum3A_616 : vector<16xi32>
        %le3A_618 = arith.cmpi sle, %add3A_617, %add3A_338 : vector<16xi32>
        %and3A_619 = arith.andi %and3A_612, %le3A_618 : vector<16xi1>
        %sub3A_620 = arith.constant 1 : i32
        %sub3A_621 = vector.broadcast %sub3A_620 : i32 to vector<16xi32>
        %sub3A_622 = arith.subi %add3A_617, %sub3A_621 : vector<16xi32>
        %jit3A_623 = arith.constant 0 : i32
        %broadcast_in_dim3A_624 = vector.broadcast %jit3A_623 : i32 to vector<16xi32>
        %select_n3A_625 = arith.select %and3A_619, %sub3A_622, %broadcast_in_dim3A_624 : vector<16xi1>, vector<16xi32>
        tpu.vector_store_idx %arg20[%select_n3A_625], %add3A_603 masked %and3A_619 : memref<256xi32, #tpu.memory_space<vmem>>[vector<16xi32>], vector<16xi32>, vector<16xi1>
        %jit3A_626 = arith.constant 1 : i32
        %broadcast_in_dim3A_627 = vector.broadcast %jit3A_626 : i32 to vector<16xi32>
        %select_n3A_628 = arith.select %and3A_619, %broadcast_in_dim3A_627, %get3A_605 : vector<16xi1>, vector<16xi32>
        %swap3A_629 = arith.index_cast %add3A_601 : i32 to index
        %swap3A_630 = tpu.vector_load %arg14[%swap3A_629] {strides = array<i32>} : memref<2048xi32, #tpu.memory_space<vmem>>, vector<16xi32>,
        tpu.vector_store %arg14[%swap3A_629], %select_n3A_628 {strides = array<i32>} : memref<2048xi32, #tpu.memory_space<vmem>>, vector<16xi32>,
        %all_reduce_population_count3A_631 = tpu.all_reduce %and3A_612 {dim = 0 : i64, kind = #tpu.reduction_kind<sum>} : vector<16xi1> -> vector<16xi32>
        %add3A_632 = arith.addi %add3A_599, %all_reduce_population_count3A_631 : vector<16xi32>
        %add3A_633 = arith.constant 96 : i32
        %add3A_634 = arith.addi %mul3A_435, %add3A_633 : i32
        %add3A_635 = vector.broadcast %add3A_634 : i32 to vector<16xi32>
        %add3A_636 = arith.addi %iota3A, %add3A_635 : vector<16xi32>
        %get3A_637 = arith.index_cast %add3A_634 : i32 to index
        %get3A_638 = tpu.vector_load %arg14[%get3A_637] {strides = array<i32>} : memref<2048xi32, #tpu.memory_space<vmem>>, vector<16xi32>,
        %eq3A_639 = arith.constant 0 : i32
        %eq3A_640 = vector.broadcast %eq3A_639 : i32 to vector<16xi32>
        %eq3A_641 = arith.cmpi eq, %get3A_638, %eq3A_640 : vector<16xi32>
        %gt3A_642 = arith.constant 0 : i32
        %gt3A_643 = vector.broadcast %gt3A_642 : i32 to vector<16xi32>
        %gt3A_644 = arith.cmpi sgt, %add3A_636, %gt3A_643 : vector<16xi32>
        %and3A_645 = arith.andi %eq3A_641, %gt3A_644 : vector<16xi1>
        %select_n3A_646 = arith.select %and3A_645, %broadcast_in_dim3A_6, %broadcast_in_dim3A_4 : vector<16xi1>, vector<16xi32>
        %broadcast_in_dim3A_647 = arith.constant true
        %broadcast_in_dim3A_648 = vector.broadcast %broadcast_in_dim3A_647 : i1 to vector<16xi1>
        %masked_cumsum3A_649 = tpu.scan <sum>, %select_n3A_646 masked %broadcast_in_dim3A_648 : vector<16xi32>, vector<16xi1> -> vector<16xi32>
        %add3A_650 = arith.addi %add3A_632, %masked_cumsum3A_649 : vector<16xi32>
        %le3A_651 = arith.cmpi sle, %add3A_650, %add3A_338 : vector<16xi32>
        %and3A_652 = arith.andi %and3A_645, %le3A_651 : vector<16xi1>
        %sub3A_653 = arith.constant 1 : i32
        %sub3A_654 = vector.broadcast %sub3A_653 : i32 to vector<16xi32>
        %sub3A_655 = arith.subi %add3A_650, %sub3A_654 : vector<16xi32>
        %jit3A_656 = arith.constant 0 : i32
        %broadcast_in_dim3A_657 = vector.broadcast %jit3A_656 : i32 to vector<16xi32>
        %select_n3A_658 = arith.select %and3A_652, %sub3A_655, %broadcast_in_dim3A_657 : vector<16xi1>, vector<16xi32>
        tpu.vector_store_idx %arg20[%select_n3A_658], %add3A_636 masked %and3A_652 : memref<256xi32, #tpu.memory_space<vmem>>[vector<16xi32>], vector<16xi32>, vector<16xi1>
        %jit3A_659 = arith.constant 1 : i32
        %broadcast_in_dim3A_660 = vector.broadcast %jit3A_659 : i32 to vector<16xi32>
        %select_n3A_661 = arith.select %and3A_652, %broadcast_in_dim3A_660, %get3A_638 : vector<16xi1>, vector<16xi32>
        %swap3A_662 = arith.index_cast %add3A_634 : i32 to index
        %swap3A_663 = tpu.vector_load %arg14[%swap3A_662] {strides = array<i32>} : memref<2048xi32, #tpu.memory_space<vmem>>, vector<16xi32>,
        tpu.vector_store %arg14[%swap3A_662], %select_n3A_661 {strides = array<i32>} : memref<2048xi32, #tpu.memory_space<vmem>>, vector<16xi32>,
        %all_reduce_population_count3A_664 = tpu.all_reduce %and3A_645 {dim = 0 : i64, kind = #tpu.reduction_kind<sum>} : vector<16xi1> -> vector<16xi32>
        %add3A_665 = arith.addi %add3A_632, %all_reduce_population_count3A_664 : vector<16xi32>
        %add3A_666 = arith.constant 112 : i32
        %add3A_667 = arith.addi %mul3A_435, %add3A_666 : i32
        %add3A_668 = vector.broadcast %add3A_667 : i32 to vector<16xi32>
        %add3A_669 = arith.addi %iota3A, %add3A_668 : vector<16xi32>
        %get3A_670 = arith.index_cast %add3A_667 : i32 to index
        %get3A_671 = tpu.vector_load %arg14[%get3A_670] {strides = array<i32>} : memref<2048xi32, #tpu.memory_space<vmem>>, vector<16xi32>,
        %eq3A_672 = arith.constant 0 : i32
        %eq3A_673 = vector.broadcast %eq3A_672 : i32 to vector<16xi32>
        %eq3A_674 = arith.cmpi eq, %get3A_671, %eq3A_673 : vector<16xi32>
        %gt3A_675 = arith.constant 0 : i32
        %gt3A_676 = vector.broadcast %gt3A_675 : i32 to vector<16xi32>
        %gt3A_677 = arith.cmpi sgt, %add3A_669, %gt3A_676 : vector<16xi32>
        %and3A_678 = arith.andi %eq3A_674, %gt3A_677 : vector<16xi1>
        %select_n3A_679 = arith.select %and3A_678, %broadcast_in_dim3A_6, %broadcast_in_dim3A_4 : vector<16xi1>, vector<16xi32>
        %broadcast_in_dim3A_680 = arith.constant true
        %broadcast_in_dim3A_681 = vector.broadcast %broadcast_in_dim3A_680 : i1 to vector<16xi1>
        %masked_cumsum3A_682 = tpu.scan <sum>, %select_n3A_679 masked %broadcast_in_dim3A_681 : vector<16xi32>, vector<16xi1> -> vector<16xi32>
        %add3A_683 = arith.addi %add3A_665, %masked_cumsum3A_682 : vector<16xi32>
        %le3A_684 = arith.cmpi sle, %add3A_683, %add3A_338 : vector<16xi32>
        %and3A_685 = arith.andi %and3A_678, %le3A_684 : vector<16xi1>
        %sub3A_686 = arith.constant 1 : i32
        %sub3A_687 = vector.broadcast %sub3A_686 : i32 to vector<16xi32>
        %sub3A_688 = arith.subi %add3A_683, %sub3A_687 : vector<16xi32>
        %jit3A_689 = arith.constant 0 : i32
        %broadcast_in_dim3A_690 = vector.broadcast %jit3A_689 : i32 to vector<16xi32>
        %select_n3A_691 = arith.select %and3A_685, %sub3A_688, %broadcast_in_dim3A_690 : vector<16xi1>, vector<16xi32>
        tpu.vector_store_idx %arg20[%select_n3A_691], %add3A_669 masked %and3A_685 : memref<256xi32, #tpu.memory_space<vmem>>[vector<16xi32>], vector<16xi32>, vector<16xi1>
        %jit3A_692 = arith.constant 1 : i32
        %broadcast_in_dim3A_693 = vector.broadcast %jit3A_692 : i32 to vector<16xi32>
        %select_n3A_694 = arith.select %and3A_685, %broadcast_in_dim3A_693, %get3A_671 : vector<16xi1>, vector<16xi32>
        %swap3A_695 = arith.index_cast %add3A_667 : i32 to index
        %swap3A_696 = tpu.vector_load %arg14[%swap3A_695] {strides = array<i32>} : memref<2048xi32, #tpu.memory_space<vmem>>, vector<16xi32>,
        tpu.vector_store %arg14[%swap3A_695], %select_n3A_694 {strides = array<i32>} : memref<2048xi32, #tpu.memory_space<vmem>>, vector<16xi32>,
        %all_reduce_population_count3A_697 = tpu.all_reduce %and3A_678 {dim = 0 : i64, kind = #tpu.reduction_kind<sum>} : vector<16xi1> -> vector<16xi32>
        %add3A_698 = arith.addi %add3A_665, %all_reduce_population_count3A_697 : vector<16xi32>
        scf.yield %add3A_434, %add3A_698 : i32, vector<16xi32>
      }
      tpu.enqueue_dma source(%arg14 : memref<2048xi32, #tpu.memory_space<vmem>>) target(%arg8 : memref<2048xi32, #tpu.memory_space<hbm>>) target_semaphore(%arg26 : memref<!tpu.dma_semaphore, #tpu.memory_space<semaphore_mem>>)
      %scan3A_356 = arith.constant 0 : i32
      %scan3A_357 = arith.constant 0 : i32
      %scan3A_358 = arith.constant 8 : i32
      %scan3A_359 = arith.addi %scan3A_357, %scan3A_358 : i32
      %scan3A_360 = arith.constant 1 : i32
      scf.for %scan3A_431 = %scan3A_357 to %scan3A_359 step %scan3A_360  : i32 {
        %mul3A = arith.constant 16 : i32
        %mul3A_432 = arith.muli %mul3A, %scan3A_431 : i32
        %add3A_433 = vector.broadcast %mul3A_432 : i32 to vector<16xi32>
        %add3A_434 = arith.addi %iota3A, %add3A_433 : vector<16xi32>
        %lt3A_435 = arith.cmpi slt, %add3A_434, %broadcast_in_dim3A_29 : vector<16xi32>
        %jit3A_436 = arith.constant 0 : i32
        %broadcast_in_dim3A_437 = vector.broadcast %jit3A_436 : i32 to vector<16xi32>
        %select_n3A_438 = arith.select %lt3A_435, %add3A_434, %broadcast_in_dim3A_437 : vector<16xi1>, vector<16xi32>
        %gather3A_439 = tpu.vector_load_idx %arg20[%select_n3A_438] : memref<256xi32, #tpu.memory_space<vmem>>[vector<16xi32>], vector<16xi32>,
        tpu.vector_store_idx %arg15[%broadcast_in_dim3A_27, %add3A_434], %gather3A_439 masked %lt3A_435 : memref<64x128xi32, #tpu.memory_space<vmem>>[vector<16xi32>, vector<16xi32>], vector<16xi32>, vector<16xi1>
      }
      %scan3A_361 = arith.constant 8 : i32
      tpu.wait_dma2 semaphore(%arg30 : memref<!tpu.dma_semaphore, #tpu.memory_space<semaphore_mem>>) src(%arg6 : memref<64xi32, #tpu.memory_space<hbm>>) dst(%arg18 : memref<64xi32, #tpu.memory_space<vmem>>)
      %sub3A_362 = arith.constant 1 : i32
      %sub3A_363 = vector.broadcast %sub3A_362 : i32 to vector<16xi32>
      %sub3A_364 = arith.subi %broadcast_in_dim3A_29, %sub3A_363 : vector<16xi32>
      %max3A = arith.constant 0 : i32
      %max3A_365 = vector.broadcast %max3A : i32 to vector<16xi32>
      %max3A_366 = arith.maxsi %sub3A_364, %max3A_365 : vector<16xi32>
      %gather3A = tpu.vector_load_idx %arg20[%max3A_366] : memref<256xi32, #tpu.memory_space<vmem>>[vector<16xi32>], vector<16xi32>,
      %gt3A_367 = arith.constant 0 : i32
      %gt3A_368 = vector.broadcast %gt3A_367 : i32 to vector<16xi32>
      %gt3A_369 = arith.cmpi sgt, %broadcast_in_dim3A_29, %gt3A_368 : vector<16xi32>
      %jit3A_370 = arith.constant 0 : i32
      %broadcast_in_dim3A_371 = vector.broadcast %jit3A_370 : i32 to vector<16xi32>
      %select_n3A_372 = arith.select %gt3A_369, %gather3A, %broadcast_in_dim3A_371 : vector<16xi1>, vector<16xi32>
      %eq3A_373 = arith.constant 0 : i32
      %eq3A_374 = vector.broadcast %eq3A_373 : i32 to vector<16xi32>
      %eq3A_375 = arith.cmpi eq, %iota3A, %eq3A_374 : vector<16xi32>
      tpu.vector_store_idx %arg18[%broadcast_in_dim3A_27], %select_n3A_372 masked %eq3A_375 : memref<64xi32, #tpu.memory_space<vmem>>[vector<16xi32>], vector<16xi32>, vector<16xi1>
      %add3A_376 = arith.constant 0 : i32
      %add3A_377 = vector.broadcast %add3A_376 : i32 to vector<16xi32>
      %add3A_378 = arith.addi %iota3A, %add3A_377 : vector<16xi32>
      %lt3A = arith.cmpi slt, %add3A_378, %add3A_337 : vector<16xi32>
      %add3A_379 = arith.addi %broadcast_in_dim3A_29, %add3A_378 : vector<16xi32>
      %jit3A_380 = arith.constant 0 : i32
      %broadcast_in_dim3A_381 = vector.broadcast %jit3A_380 : i32 to vector<16xi32>
      %select_n3A_382 = arith.select %lt3A, %add3A_379, %broadcast_in_dim3A_381 : vector<16xi1>, vector<16xi32>
      %gather3A_383 = tpu.vector_load_idx %arg20[%select_n3A_382] : memref<256xi32, #tpu.memory_space<vmem>>[vector<16xi32>], vector<16xi32>,
      %jit3A_384 = arith.constant 0 : i32
      %broadcast_in_dim3A_385 = vector.broadcast %jit3A_384 : i32 to vector<16xi32>
      %select_n3A_386 = arith.select %lt3A, %add3A_378, %broadcast_in_dim3A_385 : vector<16xi1>, vector<16xi32>
      %gather3A_387 = tpu.vector_load_idx %arg21[%select_n3A_386] : memref<64xi32, #tpu.memory_space<vmem>>[vector<16xi32>], vector<16xi32>,
      %gather3A_388 = tpu.vector_load_idx %arg22[%select_n3A_386] : memref<64xi32, #tpu.memory_space<vmem>>[vector<16xi32>], vector<16xi32>,
      tpu.vector_store_idx %arg15[%gather3A_387, %gather3A_388], %gather3A_383 masked %lt3A : memref<64x128xi32, #tpu.memory_space<vmem>>[vector<16xi32>, vector<16xi32>], vector<16xi32>, vector<16xi1>
      tpu.vector_store_idx %arg18[%gather3A_387], %gather3A_383 masked %lt3A : memref<64xi32, #tpu.memory_space<vmem>>[vector<16xi32>], vector<16xi32>, vector<16xi1>
      %add3A_389 = arith.constant 16 : i32
      %add3A_390 = vector.broadcast %add3A_389 : i32 to vector<16xi32>
      %add3A_391 = arith.addi %iota3A, %add3A_390 : vector<16xi32>
      %lt3A_392 = arith.cmpi slt, %add3A_391, %add3A_337 : vector<16xi32>
      %add3A_393 = arith.addi %broadcast_in_dim3A_29, %add3A_391 : vector<16xi32>
      %jit3A_394 = arith.constant 0 : i32
      %broadcast_in_dim3A_395 = vector.broadcast %jit3A_394 : i32 to vector<16xi32>
      %select_n3A_396 = arith.select %lt3A_392, %add3A_393, %broadcast_in_dim3A_395 : vector<16xi1>, vector<16xi32>
      %gather3A_397 = tpu.vector_load_idx %arg20[%select_n3A_396] : memref<256xi32, #tpu.memory_space<vmem>>[vector<16xi32>], vector<16xi32>,
      %jit3A_398 = arith.constant 0 : i32
      %broadcast_in_dim3A_399 = vector.broadcast %jit3A_398 : i32 to vector<16xi32>
      %select_n3A_400 = arith.select %lt3A_392, %add3A_391, %broadcast_in_dim3A_399 : vector<16xi1>, vector<16xi32>
      %gather3A_401 = tpu.vector_load_idx %arg21[%select_n3A_400] : memref<64xi32, #tpu.memory_space<vmem>>[vector<16xi32>], vector<16xi32>,
      %gather3A_402 = tpu.vector_load_idx %arg22[%select_n3A_400] : memref<64xi32, #tpu.memory_space<vmem>>[vector<16xi32>], vector<16xi32>,
      tpu.vector_store_idx %arg15[%gather3A_401, %gather3A_402], %gather3A_397 masked %lt3A_392 : memref<64x128xi32, #tpu.memory_space<vmem>>[vector<16xi32>, vector<16xi32>], vector<16xi32>, vector<16xi1>
      tpu.vector_store_idx %arg18[%gather3A_401], %gather3A_397 masked %lt3A_392 : memref<64xi32, #tpu.memory_space<vmem>>[vector<16xi32>], vector<16xi32>, vector<16xi1>
      %add3A_403 = arith.constant 32 : i32
      %add3A_404 = vector.broadcast %add3A_403 : i32 to vector<16xi32>
      %add3A_405 = arith.addi %iota3A, %add3A_404 : vector<16xi32>
      %lt3A_406 = arith.cmpi slt, %add3A_405, %add3A_337 : vector<16xi32>
      %add3A_407 = arith.addi %broadcast_in_dim3A_29, %add3A_405 : vector<16xi32>
      %jit3A_408 = arith.constant 0 : i32
      %broadcast_in_dim3A_409 = vector.broadcast %jit3A_408 : i32 to vector<16xi32>
      %select_n3A_410 = arith.select %lt3A_406, %add3A_407, %broadcast_in_dim3A_409 : vector<16xi1>, vector<16xi32>
      %gather3A_411 = tpu.vector_load_idx %arg20[%select_n3A_410] : memref<256xi32, #tpu.memory_space<vmem>>[vector<16xi32>], vector<16xi32>,
      %jit3A_412 = arith.constant 0 : i32
      %broadcast_in_dim3A_413 = vector.broadcast %jit3A_412 : i32 to vector<16xi32>
      %select_n3A_414 = arith.select %lt3A_406, %add3A_405, %broadcast_in_dim3A_413 : vector<16xi1>, vector<16xi32>
      %gather3A_415 = tpu.vector_load_idx %arg21[%select_n3A_414] : memref<64xi32, #tpu.memory_space<vmem>>[vector<16xi32>], vector<16xi32>,
      %gather3A_416 = tpu.vector_load_idx %arg22[%select_n3A_414] : memref<64xi32, #tpu.memory_space<vmem>>[vector<16xi32>], vector<16xi32>,
      tpu.vector_store_idx %arg15[%gather3A_415, %gather3A_416], %gather3A_411 masked %lt3A_406 : memref<64x128xi32, #tpu.memory_space<vmem>>[vector<16xi32>, vector<16xi32>], vector<16xi32>, vector<16xi1>
      tpu.vector_store_idx %arg18[%gather3A_415], %gather3A_411 masked %lt3A_406 : memref<64xi32, #tpu.memory_space<vmem>>[vector<16xi32>], vector<16xi32>, vector<16xi1>
      %add3A_417 = arith.constant 48 : i32
      %add3A_418 = vector.broadcast %add3A_417 : i32 to vector<16xi32>
      %add3A_419 = arith.addi %iota3A, %add3A_418 : vector<16xi32>
      %lt3A_420 = arith.cmpi slt, %add3A_419, %add3A_337 : vector<16xi32>
      %add3A_421 = arith.addi %broadcast_in_dim3A_29, %add3A_419 : vector<16xi32>
      %jit3A_422 = arith.constant 0 : i32
      %broadcast_in_dim3A_423 = vector.broadcast %jit3A_422 : i32 to vector<16xi32>
      %select_n3A_424 = arith.select %lt3A_420, %add3A_421, %broadcast_in_dim3A_423 : vector<16xi1>, vector<16xi32>
      %gather3A_425 = tpu.vector_load_idx %arg20[%select_n3A_424] : memref<256xi32, #tpu.memory_space<vmem>>[vector<16xi32>], vector<16xi32>,
      %jit3A_426 = arith.constant 0 : i32
      %broadcast_in_dim3A_427 = vector.broadcast %jit3A_426 : i32 to vector<16xi32>
      %select_n3A_428 = arith.select %lt3A_420, %add3A_419, %broadcast_in_dim3A_427 : vector<16xi1>, vector<16xi32>
      %gather3A_429 = tpu.vector_load_idx %arg21[%select_n3A_428] : memref<64xi32, #tpu.memory_space<vmem>>[vector<16xi32>], vector<16xi32>,
      %gather3A_430 = tpu.vector_load_idx %arg22[%select_n3A_428] : memref<64xi32, #tpu.memory_space<vmem>>[vector<16xi32>], vector<16xi32>,
      tpu.vector_store_idx %arg15[%gather3A_429, %gather3A_430], %gather3A_425 masked %lt3A_420 : memref<64x128xi32, #tpu.memory_space<vmem>>[vector<16xi32>, vector<16xi32>], vector<16xi32>, vector<16xi1>
      tpu.vector_store_idx %arg18[%gather3A_429], %gather3A_425 masked %lt3A_420 : memref<64xi32, #tpu.memory_space<vmem>>[vector<16xi32>], vector<16xi32>, vector<16xi1>
      tpu.enqueue_dma source(%arg15 : memref<64x128xi32, #tpu.memory_space<vmem>>) target(%arg9 : memref<64x128xi32, #tpu.memory_space<hbm>>) target_semaphore(%arg27 : memref<!tpu.dma_semaphore, #tpu.memory_space<semaphore_mem>>)
      tpu.enqueue_dma source(%arg18 : memref<64xi32, #tpu.memory_space<vmem>>) target(%arg12 : memref<64xi32, #tpu.memory_space<hbm>>) target_semaphore(%arg30 : memref<!tpu.dma_semaphore, #tpu.memory_space<semaphore_mem>>)
      tpu.wait_dma2 semaphore(%arg28 : memref<!tpu.dma_semaphore, #tpu.memory_space<semaphore_mem>>) src(%arg23 : memref<64xi32, #tpu.memory_space<vmem>>) dst(%arg10 : memref<64xi32, #tpu.memory_space<hbm>>)
      tpu.wait_dma2 semaphore(%arg29 : memref<!tpu.dma_semaphore, #tpu.memory_space<semaphore_mem>>) src(%arg24 : memref<64xi32, #tpu.memory_space<vmem>>) dst(%arg11 : memref<64xi32, #tpu.memory_space<hbm>>)
      tpu.wait_dma2 semaphore(%arg31 : memref<!tpu.dma_semaphore, #tpu.memory_space<semaphore_mem>>) src(%arg25 : memref<64xi32, #tpu.memory_space<vmem>>) dst(%arg13 : memref<64xi32, #tpu.memory_space<hbm>>)
      tpu.wait_dma2 semaphore(%arg26 : memref<!tpu.dma_semaphore, #tpu.memory_space<semaphore_mem>>) src(%arg14 : memref<2048xi32, #tpu.memory_space<vmem>>) dst(%arg8 : memref<2048xi32, #tpu.memory_space<hbm>>)
      tpu.wait_dma2 semaphore(%arg27 : memref<!tpu.dma_semaphore, #tpu.memory_space<semaphore_mem>>) src(%arg15 : memref<64x128xi32, #tpu.memory_space<vmem>>) dst(%arg9 : memref<64x128xi32, #tpu.memory_space<hbm>>)
      tpu.wait_dma2 semaphore(%arg30 : memref<!tpu.dma_semaphore, #tpu.memory_space<semaphore_mem>>) src(%arg18 : memref<64xi32, #tpu.memory_space<vmem>>) dst(%arg12 : memref<64xi32, #tpu.memory_space<hbm>>)
    } else {
    }
    return
  }
}

</mosaic_0001>

<sc_bundles>
// kernel: kernel.3.cloned.1.call-start
scs
__scs_entry_jumppad:
0x0: {  	(pc) =	sbr.rel $0x88, $3  }
0x1: {  	(tag) =	ssettag $0x0;
	lr =	simm.s32 $0x1  }
0x2: {  	[smem:$0x3F9A] =	sst lr;
	_ =	strace $0xD0000000  }
0x3: {  	_ = 	snop  }
0x4: {  	_ = 	snop  }
0x5: {  	_ = 	snop  }
0x6: {  	_ = 	snop  }
0x7: {  	_ = 	snop  }
__scs_overlays_trampoline_lowered:
0x8: {  	[smem:$0x3FA9] =	sst s0  }
0x9: {  	[smem:$0x3FAA] =	sst s1  }
0xa: {  	[smem:$0x3FAB] =	sst s2  }
0xb: {  	[smem:$0x3FAC] =	sst s3  }
0xc: {  	[smem:$0x3FAD] =	sst s4  }
0xd: {  	[smem:$0x3FAE] =	sst s5  }
0xe: {  	[smem:$0x3FAF] =	sst s6  }
0xf: {  	[smem:$0x3FB0] =	sst s7  }
0x10: {  	[smem:$0x3FB1] =	sst s8  }
0x11: {  	[smem:$0x3FB2] =	sst s9;
	s0 =	simm.s32 @!p0 $0x0  }
0x12: {  	s1 =	sld [smem:$0x3F98];
	s0 =	simm.s32 @p0 $0x1  }
0x13: {  	[smem:$0x3FB3] =	sst s0;
	s0 =	simm.s32 @!p1 $0x0  }
0x14: {  	s2 =	sld [smem:$0x3F97];
	s0 =	simm.s32 @p1 $0x1  }
0x15: {  	[smem:$0x3FB4] =	sst s0;
	s0 =	simm.s32 @!p2 $0x0  }
0x16: {  	s3 =	sld [smem:$0x3FDB];
	s0 =	simm.s32 @p2 $0x1  }
0x17: {  	s4 =	simm.s32 $0x1BF5;
	[smem:$0x3FB6] =	sst s0  }
0x18: {  	s0 =	sld [smem:$0x3F99];
	_ =	swait.ge [sflag:s4], $0x0  }
0x19: {  	s7 =	sld [smem:$0x3F9A]  }
0x1a: {  	s8 =	sadd.s32 $0xFFFFE003, lr  }
0x1b: {  	s9 =	sadd.s32 $0xFFFFFEF7, lr;
	s5 =	simm.s32 $0xFFFFFFFF;
	p2 =	slt.u32 s8, $0xFFFFF086  }
0x1c: {  	p1 =	slt.u32 s9, $0xF7A;
	s5 =	simm.s32 @!p2 $0x0  }
0x1d: {  	s5 =	simm.s32 @p1 $0x1;
	p0 =	seq.s32 s7, s2  }
0x1e: {  	s7 =	smul.u32 @!p0 $0xF7A, s2;
	p2 =	seq.s32 @!p0 s5, $0x0  }
0x1f: {  	s9 =	smul.u32 $0xF7A, s1;
	s8 =	simm.s32 @!p0 $0x1BF5;
	p2 =	por !p2, p0  }
0x20: {  	[sflag:s8] =	ssyncset.s32 @!p0 $0xFFFFF086;
	s6 =	sadd.s32 @!p0 s3, s7;
	s7 =	simm.s32 @!p0 $0x108  }
0x21: {  	s3 =	sadd.s32 s3, s9;
	s6 =	sadd.s32 @!p0 $0x88, s6;
	s7 =	simm.s32 @p2 $0x1082  }
0x22: {  	[simem:s7], [sflag:s8] =	dma.local @!p0 [hbm:s6], $0xF7A  }
0x23: {  	s9 =	sor.u32 $0xD0000000, s2;
	s6 =	simm.s32 $0x108;
	_ =	swait.ge @!p0 [sflag:s8], $0x0  }
0x24: {  	s3 =	sadd.s32 $0x88, s3;
	s6 =	simm.s32 @!p1 $0x1082;
	[sflag:s4] =	ssyncset.s32 $0xFFFFF086  }
0x25: {  	[simem:s6], [sflag:s4] =	dma.local [hbm:s3], $0xF7A  }
0x26: {  	[smem:$0x3F9A] =	sst s1;
	(tag) =	ssettag s2;
	_ =	strace s9  }
0x27: {  	s1 =	sld [smem:$0x3FAA]  }
0x28: {  	s2 =	sld [smem:$0x3FAB]  }
0x29: {  	s4 =	sld [smem:$0x3FAD]  }
0x2a: {  	p0 =	seq.s32 s5, $0x0;
	s5 =	sld [smem:$0x3FAE]  }
0x2b: {  	s6 =	sld [smem:$0x3FAF]  }
0x2c: {  	s7 =	sld [smem:$0x3FB0]  }
0x2d: {  	s3 =	simm.s32 $0x108;
	s8 =	sld [smem:$0x3FB1]  }
0x2e: {  	s3 =	simm.s32 @!p0 $0x1082;
	s9 =	sld [smem:$0x3FB2]  }
0x2f: {  	lr =	sadd.s32 s0, s3;
	s0 =	sld [smem:$0x3FA9]  }
0x30: {  	s3 =	sld [smem:$0x3FAC]  }
0x31: {  	[smem:$0x3FB5] =	sst s10  }
0x32: {  	s10 =	sld [smem:$0x3FB3];
	_ =	sdelay $0x3  }
0x33: {  	p0 =	seq.s32 s10, $0x1;
	s10 =	sld [smem:$0x3FB5];
	_ =	sdelay $0x3  }
0x34: {  	[smem:$0x3FB5] =	sst s10  }
0x35: {  	s10 =	sld [smem:$0x3FB4];
	_ =	sdelay $0x3  }
0x36: {  	p1 =	seq.s32 s10, $0x1;
	s10 =	sld [smem:$0x3FB5];
	_ =	sdelay $0x3  }
0x37: {  	[smem:$0x3FB5] =	sst s10  }
0x38: {  	s10 =	sld [smem:$0x3FB6]  }
0x39: {  	_ = 	snop;
	(pc) =	sbr.ind lr, $3  }
0x3a: {  	_ = 	snop  }
0x3b: {  	_ = 	snop  }
0x3c: {  	p2 =	seq.s32 s10, $0x1;
	s10 =	sld [smem:$0x3FB5]  }
0x3d: {  	_ =	shalt  }
0x3e: {  	_ =	shalt  }
0x3f: {  	_ =	shalt  }
0x40: {  	_ =	shalt  }
0x41: {  	_ =	shalt  }
0x42: {  	_ =	shalt  }
0x43: {  	_ =	shalt  }
0x44: {  	_ =	shalt  }
0x45: {  	_ =	shalt  }
0x46: {  	_ =	shalt  }
0x47: {  	_ =	shalt  }
0x48: {  	_ =	shalt  }
0x49: {  	_ =	shalt  }
0x4a: {  	_ =	shalt  }
0x4b: {  	_ =	shalt  }
0x4c: {  	_ =	shalt  }
0x4d: {  	_ =	shalt  }
0x4e: {  	_ =	shalt  }
0x4f: {  	_ =	shalt  }
0x50: {  	_ =	shalt  }
0x51: {  	_ =	shalt  }
0x52: {  	_ =	shalt  }
0x53: {  	_ =	shalt  }
0x54: {  	_ =	shalt  }
0x55: {  	_ =	shalt  }
0x56: {  	_ =	shalt  }
0x57: {  	_ =	shalt  }
0x58: {  	_ =	shalt  }
0x59: {  	_ =	shalt  }
0x5a: {  	_ =	shalt  }
0x5b: {  	_ =	shalt  }
0x5c: {  	_ =	shalt  }
0x5d: {  	_ =	shalt  }
0x5e: {  	_ =	shalt  }
0x5f: {  	_ =	shalt  }
0x60: {  	_ =	shalt  }
0x61: {  	_ =	shalt  }
0x62: {  	_ =	shalt  }
0x63: {  	_ =	shalt  }
0x64: {  	_ =	shalt  }
0x65: {  	_ =	shalt  }
0x66: {  	_ =	shalt  }
0x67: {  	_ =	shalt  }
0x68: {  	_ =	shalt  }
0x69: {  	_ =	shalt  }
0x6a: {  	_ =	shalt  }
0x6b: {  	_ =	shalt  }
0x6c: {  	_ =	shalt  }
0x6d: {  	_ =	shalt  }
0x6e: {  	_ =	shalt  }
0x6f: {  	_ =	shalt  }
0x70: {  	_ =	shalt  }
0x71: {  	_ =	shalt  }
0x72: {  	_ =	shalt  }
0x73: {  	_ =	shalt  }
0x74: {  	_ =	shalt  }
0x75: {  	_ =	shalt  }
0x76: {  	_ =	shalt  }
0x77: {  	_ =	shalt  }
0x78: {  	_ =	shalt  }
0x79: {  	_ =	shalt  }
0x7a: {  	_ =	shalt  }
0x7b: {  	_ =	shalt  }
0x7c: {  	_ =	shalt  }
0x7d: {  	_ =	shalt  }
0x7e: {  	_ =	shalt  }
0x7f: {  	_ =	shalt  }
0x80: {  	_ =	shalt  }
0x81: {  	_ =	shalt  }
0x82: {  	_ =	shalt  }
0x83: {  	_ =	shalt  }
0x84: {  	_ =	shalt  }
0x85: {  	_ =	shalt  }
0x86: {  	_ =	shalt  }
0x87: {  	_ =	shalt  }
.Lfunc_end0:
.L_simem_size_0:
called_computation_lowered:
.L_overlay_start_0:
0x88: {  	s0 =	sld [smem:$0x3FD9]  }
0x89: {  	s1 =	sld [smem:$0x3FFE];
	_ =	sdelay $0x3  }
0x8a: {  	s0 =	sadd.s32 s1, s0  }
0x8b: {  	[smem:$0x3FC1] =	sst s0  }
0x8c: {  	_ = 	snop  }
0x8d: {  	s30 =	sld [smem:$0x3FC9]  }
0x8e: {  	s2 =	sld [smem:$0x3FC8]  }
0x8f: {  	s0 =	sld [smem:$0x3FD0]  }
0x90: {  	s3 =	sld [smem:$0x3FC7]  }
0x91: {  	s4 =	sld [smem:$0x3FC6]  }
0x92: {  	s6 =	simm.s32 $0xA;
	s7 =	simm.s32 $0x10;
	s5 =	sld [smem:$0x3FC5]  }
0x93: {  	[smem:s7], [sflag:s6] =	dma.local [hbm:s0], $0x1  }
0x94: {  	_ =	swait.eq [sflag:s6], $0x1  }
0x95: {  	s31 =	sld [smem:$0x10]  }
0x96: {  	s8 =	sld [smem:$0x11]  }
0x97: {  	s9 =	sld [smem:$0x12]  }
0x98: {  	s10 =	sld [smem:$0x13];
	[sflag:s6] =	ssyncset.done $0x0  }
0x99: {  	s11 =	sld [smem:$0x14];
	[sflag:s6] =	ssyncadd.s32 $0xFFFFFFFF  }
0x9a: {  	s16 =	sld [smem:$0x15];
	(tm) =	ssettm $0x1  }
0x9b: {  	s17 =	sld [smem:$0x3FFB];
	_ =	sdelay $0x3  }
0x9c: {  	_ =	strace s17  }
0x9d: {  	s0 =	sld [smem:$0x3FFC];
	_ =	sdelay $0x3  }
0x9e: {  	_ =	strace s0  }
0x9f: {  	s0 =	sld [smem:$0x3FFD];
	_ =	sdelay $0x3  }
0xa0: {  	_ =	strace s0  }
0xa1: {  	_ =	strace $0x8FFFFFFF  }
0xa2: {  	s18 =	sld [smem:$0x3FDB];
	_ =	sdelay $0x1  }
0xa3: {  	s12 =	simm.s32 $_scs_section_size  }
0xa4: {  	s13 =	simm.s32 $_size__tile_overlayer_lowered;
	s14 =	simm.s32 $_tile_overlayer_lowered  }
0xa5: {  	s15 =	simm.s32 $0x1BFF;
	s19 =	sshll.u32 s14, $0x1;
	s12 =	sadd.s32 s12, s18  }
0xa6: {  	s20 =	simm.s32 $0x0;
	s13 =	sshll.u32 s13, $0x1;
	s14 =	sadd.s32 s19, s12  }
0xa7: {  	[timem:s20], [sflag:s15] =	dma.local [hbm:s14], s13  }
0xa8: {  	_ =	swait.ge [sflag:s15], s13  }
0xa9: {  	s13 =	ssub.s32 $0x0, s13;
	[sflag:s15] =	ssyncset.done $0x0  }
0xaa: {  	[sflag:s15] =	ssyncadd.s32 s13;
	_ =	sdelay $0x1  }
0xab: {  	s21 =	simm.s32 $0x1B8B  }
0xac: {  	_ =	swait.ge [sflag:s21], $0x1  }
0xad: {  	[sflag:s21] =	ssyncset.done $0x0  }
0xae: {  	s23 =	simm.s32 $0x1B8E;
	s22 =	sld [smem:$0x3FFE];
	[sflag:s21] =	ssyncadd.s32 $0xFFFFFFFF  }
0xaf: {  	s24 =	simm.s32 $execute0_lowered;
	[smem:$0x3FD2] =	sst s23  }
0xb0: {  	s14 =	sshll.u32 s24, $0x1;
	_ =	strace $0x80000046;
	[dreg:$0x1] =	wrdreg $0xFFFFFFFF  }
0xb1: {  	s25 =	simm.s32 $_size_execute0_lowered;
	s12 =	sadd.s32 s12, s14;
	[dreg:$0x0] =	wrdreg $0x0  }
0xb2: {  	s14 =	sshll.u32 s25, $0x1;
	[dreg:$0x2] =	wrdreg s12  }
0xb3: {  	[dreg:$0x3] =	wrdreg s14  }
0xb4: {  	[dreg:$0x4] =	wrdreg $0xC0  }
0xb5: {  	_ =	task [dreg:s20], $0x5FFFF  }
0xb6: {  	[dreg:$0x1] =	wrdreg $0xFFFFFFFF  }
0xb7: {  	[dreg:$0x0] =	wrdreg $0x60  }
0xb8: {  	[dreg:$0x2] =	wrdreg s30  }
0xb9: {  	[dreg:$0x3] =	wrdreg s2  }
0xba: {  	[dreg:$0x4] =	wrdreg s3  }
0xbb: {  	[dreg:$0x5] =	wrdreg s4  }
0xbc: {  	[dreg:$0x6] =	wrdreg s5  }
0xbd: {  	[dreg:$0x7] =	wrdreg s22  }
0xbe: {  	[dreg:$0x8] =	wrdreg s31  }
0xbf: {  	[dreg:$0x9] =	wrdreg s8  }
0xc0: {  	[dreg:$0xa] =	wrdreg s9  }
0xc1: {  	[dreg:$0xb] =	wrdreg s10  }
0xc2: {  	[dreg:$0xc] =	wrdreg s11  }
0xc3: {  	[dreg:$0xd] =	wrdreg s16  }
0xc4: {  	[dreg:$0xe] =	wrdreg $0x9  }
0xc5: {  	_ =	task.clear_ibuf [dreg:s20], $0xFFFFF;
	_ =	strace $0x90000046  }
0xc6: {  	s26 =	simm.s32 $0x9;
	_ =	strace $0x80000048  }
0xc7: {  	_ =	swait.ge [sflag:s26], $0x1  }
0xc8: {  	[sflag:s26] =	ssyncadd.s32 $0xFFFFFFFF  }
0xc9: {  	_ =	strace $0x90000048  }
0xca: {  	_ =	sfence  }
0xcb: {  	s28 =	sld [smem:$0x0];
	_ =	sdelay $0x1  }
0xcc: {  	s29 =	srdreg.scid  }
0xcd: {  	s30 =	sshll.u32 s29, $0xD;
	s31 =	sshrl.u32 s29, $0x2  }
0xce: {  	s2 =	sand.u32 $0x1, s29;
	s3 =	sand.u32 $0x4000, s30;
	s1 =	sadd.s32 s31, s28  }
0xcf: {  	s2 =	sor.u32 s3, s2;
	s1 =	sshll.u32 s1, $0x11  }
0xd0: {  	s1 =	sor.u32 s1, s2  }
0xd1: {  	s1 =	sadd.s32 $0x8F2B, s1  }
0xd2: {  	[sflag:s1] =	ssyncadd.remote.s32 $0x1  }
0xd3: {  	_ =	sfence.sel $0xFFFF  }
0xd4: {  	[dreg:$0x0] =	wrdreg $0xFFFFFFFF;
	(pc) =	sbr.abs _section_cstart, $3  }
0xd5: {  	[dreg:$0x1] =	wrdreg $0xFFFFFFFF  }
0xd6: {  	_ =	task.clear_ibuf [dreg:s20], $0x2FFFF;
	_ =	strace $0x9FFFFFFF  }
0xd7: {  	(tm) =	ssettm $0x7FFFFFFF  }
tec
execute0_lowered:
.L_overlay_start_1:
0x0: {  	(tag) =	ssettag $0x1  }
0x1: {  	s5 =	rddreg [dreg:$0x0]  }
0x2: {  	s13 =	rddreg [dreg:$0x1]  }
0x3: {  	s12 =	rddreg [dreg:$0x2]  }
0x4: {  	s11 =	rddreg [dreg:$0x3]  }
0x5: {  	s6 =	rddreg [dreg:$0x4]  }
0x6: {  	s7 =	rddreg [dreg:$0x5]  }
0x7: {  	s3 =	rddreg [dreg:$0x6];
	s4 =	stileid.u32  }
0x8: {  	s1 =	rddreg [dreg:$0x7];
	p0 =	sne.s32 s4, $0x0  }
.Ltmp0:
0x9: {  	s10 =	rddreg [dreg:$0x8];
	(pc) =	sbr.rel @p0 .LBB2_9-.Ltmp0, $4  }
0xa: {  	s9 =	rddreg [dreg:$0x9]  }
0xb: {  	s2 =	rddreg [dreg:$0xa]  }
0xc: {  	s8 =	rddreg [dreg:$0xb]  }
0xd: {  	s0 =	rddreg [dreg:$0xc];
	_ =	strace $0x80000047  }
0xe: {  	v2 =	vimm.s32 $0x0  }
0xf: {  	(xrf0) =	vadd.scan.msk.s32 $0xffff, v2;
	_ =	sdelay $0x5  }
0x10: {  	v0, _, _ =	vpop (xrf0)  }
0x11: {  	(v2sf) =	vpush v0, $0xF;
	_ =	sdelay $0x2  }
0x12: {  	s4 =	simm.s32 $0x0  }
0x13: {  	[tilespmem:s4], [sflag:$0x1] =	stream.linear.gather [hbm4b:s5+s4], $0x800, $0x38;
	[tilespmem:$0x2D80] =	vst v63  }
0x14: {  	s5 =	simm.s32 $0x800  }
0x15: {  	[tilespmem:s5], [sflag:$0x2] =	stream.linear.gather [hbm4b:s13+s4], $0x2000, $0x38;
	[tilespmem:$0x2D80] =	vst v63  }
0x16: {  	s30 =	simm.s32 $0x2800  }
0x17: {  	[tilespmem:s30], [sflag:$0x3] =	stream.linear.gather [hbm4b:s12+s4], $0x80, $0x38;
	[tilespmem:$0x2D80] =	vst v63  }
0x18: {  	s31 =	simm.s32 $0x2880  }
0x19: {  	[tilespmem:s31], [sflag:$0x4] =	stream.linear.gather [hbm4b:s11+s4], $0x80, $0x38;
	[tilespmem:$0x2D80] =	vst v63  }
0x1a: {  	s12 =	simm.s32 $0x2900  }
0x1b: {  	[tilespmem:s12], [sflag:$0x5] =	stream.linear.gather [hbm4b:s6+s4], $0x80, $0x38;
	[tilespmem:$0x2D80] =	vst v63  }
0x1c: {  	s14 =	simm.s32 $0x2980;
	s13 =	sadd.s32 $0x800, s7  }
0x1d: {  	[tilespmem:s14], [sflag:$0x6] =	stream.linear.gather [hbm4b:s13+s4], $0x80, $0x38;
	[tilespmem:$0x2D80] =	vst v63  }
0x1e: {  	s15 =	simm.s32 $0x6;
	s6 =	spop (v2sf)  }
0x1f: {  	_ =	swait.ge [sflag:s15], $0x80  }
0x20: {  	[sflag:s15] =	ssyncset.done $0x0  }
0x21: {  	s16 =	simm.s32 $0x3;
	[sflag:s15] =	ssyncadd.s32 $0xFFFFFF80  }
0x22: {  	_ =	swait.ge [sflag:s16], $0x80  }
0x23: {  	[sflag:s16] =	ssyncset.done $0x0  }
0x24: {  	s17 =	simm.s32 $0x4;
	[sflag:s16] =	ssyncadd.s32 $0xFFFFFF80  }
0x25: {  	_ =	swait.ge [sflag:s17], $0x80  }
0x26: {  	[sflag:s17] =	ssyncset.done $0x0  }
0x27: {  	[sflag:s17] =	ssyncadd.s32 $0xFFFFFF80  }
0x28: {  	v0 =	vld [tilespmem:$0x2980];
	_ =	sdelay $0x3  }
0x29: {  	vm0 =	vmmov $0x1  }
0x2a: {  	vm1 =	vcmask $0x308;
	v1 =	vnsel vm0, $0x0, v0  }
0x2b: {  	v0 =	vsel vm1, $0x0, v0;
	(xrf0) =	vadd.scan.msk.s32 $0xffff, v1  }
0x2c: {  	(xrf0) =	vadd.scan.msk.s32 $0xffff, v0;
	_ =	sdelay $0x4  }
0x2d: {  	v0, _, _ =	vpop (xrf0)  }
0x2e: {  	v1, _, _ =	vpop (xrf0)  }
0x2f: {  	(v2sf) =	vpush v1, $0xF;
	_ =	sdelay $0x7  }
0x30: {  	v3 =	vld [tilespmem:$0x2800];
	_ =	sdelay $0x1  }
0x31: {  	v0 =	vbroadcast v0, $0xF  }
0x32: {  	v4 =	vlaneseq.u32;
	v5 =	vld [tilespmem:$0x2880];
	v1 =	vbroadcast v1, $0xF  }
0x33: {  	v6 =	vld [tilespmem:$0x2890];
	vm1 =	veq.s32 v0, v4  }
0x34: {  	v7 =	vld [tilespmem:$0x2880];
	v3 =	vsel vm1, v1, v3  }
0x35: {  	v8 =	vld [tilespmem:$0x28A0];
	vm2 =	vne.s32 v3, $0x0  }
0x36: {  	v9 =	vor.u32 $0x10, v4;
	v12 =	vor.u32 $0x20, v4;
	v10 =	vld [tilespmem:$0x28B0];
	v11 =	vsel vm2, $0x1, v2;
	s18 =	spop (v2sf)  }
0x37: {  	v13 =	vor.u32 $0x30, v4;
	vm3 =	veq.s32 v0, v9;
	v3 =	vadd.s32 v11, v3;
	s7 =	sadd.s32 $0xF, s18  }
0x38: {  	v5 =	vnsel vm1, $0x0, v5;
	v6 =	vnsel vm3, $0x0, v6;
	v11 =	vadd.s32 $0xF, v3;
	s7 =	sshra.s32 s7, $0x4  }
0x39: {  	(xrf0) =	vadd.scan.msk.s32 $0xffff, v5;
	vm2 =	veq.s32 v0, v12;
	v5 =	vshra.s32 v11, $0x4;
	v7 =	vsel vm1, s7, v7  }
0x3a: {  	(xrf0) =	vadd.scan.msk.s32 $0xffff, v6;
	v6 =	vnsel vm2, $0x0, v8;
	vm1 =	veq.s32 v0, v13;
	v7 =	vsub.s32 v5, v7  }
0x3b: {  	(xrf0) =	vadd.scan.msk.s32 $0xffff, v6;
	v6 =	vnsel vm1, $0x0, v10;
	vm4 =	vgt.s32 v7, $0x0  }
0x3c: {  	(xrf0) =	vadd.scan.msk.s32 $0xffff, v6;
	v6 =	vsel vm4, $0x1, v2  }
0x3d: {  	(xrf0) =	vadd.scan.msk.s32 $0xffff, v6;
	_ =	sdelay $0x1  }
0x3e: {  	v6, _, _ =	vpop (xrf0)  }
0x3f: {  	v7, _, _ =	vpop (xrf0)  }
0x40: {  	v8, _, _ =	vpop (xrf0)  }
0x41: {  	v10, _, _ =	vpop (xrf0)  }
0x42: {  	v14, _, _ =	vpop (xrf0)  }
0x43: {  	v14 =	vadd.s32 $0xFFFFFFFF, v14  }
0x44: {  	v14 =	vnsel vm4, $0x0, v14;
	_ =	sdelay $0x1  }
0x45: {  	vm5 =	veq.s32 v3, $0x0;
	[tilespmem:$0x2C00] =	vst v3;
	v11 =	vand.u32 $0xF, v11  }
0x46: {  	v3 =	vsel vm5, $0x0, v11;
	[tilespmem:$0x2C80] =	vst v5  }
0x47: {  	s19 =	simm.s32 $0x2B00;
	[tilespmem:$0x2D00] =	vst v3  }
0x48: {  	s20 =	simm.s32 $0x2B80;
	v3 =	vadd.s32 $0xFFFFFFFF, v5;
	[tilespmem:v14+s19+$0x0] =	vst.idx.msk vm4, v4  }
0x49: {  	[tilespmem:v14+s20+$0x0] =	vst.idx.msk vm4, v3  }
0x4a: {  	v3 =	vld [tilespmem:$0x2810];
	_ =	sdelay $0x4  }
0x4b: {  	v5 =	vld [tilespmem:$0x2890];
	v3 =	vsel vm3, v1, v3  }
0x4c: {  	vm13 =	vne.s32 v3, $0x0  }
0x4d: {  	v11 =	vsel vm13, $0x1, v2  }
0x4e: {  	v3 =	vadd.s32 v11, v3  }
0x4f: {  	v11 =	vadd.s32 $0xF, v3  }
0x50: {  	v5 =	vsel vm3, s7, v5;
	v62 =	vshra.s32 v11, $0x4  }
0x51: {  	v5 =	vsub.s32 v62, v5  }
0x52: {  	vm3 =	vgt.s32 v5, $0x0  }
0x53: {  	v5 =	vsel vm3, $0x1, v2  }
0x54: {  	(xrf0) =	vadd.scan.msk.s32 $0xffff, v5;
	_ =	sdelay $0x4  }
0x55: {  	v5 =	vmpcnt.ones.xlane vm4  }
0x56: {  	v15, _, _ =	vpop (xrf0)  }
0x57: {  	v15 =	vadd.s32 v15, v5  }
0x58: {  	v15 =	vadd.s32 $0xFFFFFFFF, v15  }
0x59: {  	v15 =	vnsel vm3, $0x0, v15;
	_ =	sdelay $0x1  }
0x5a: {  	vm14 =	veq.s32 v3, $0x0;
	[tilespmem:$0x2C10] =	vst v3;
	v3 =	vand.u32 $0xF, v11  }
0x5b: {  	v3 =	vsel vm14, $0x0, v3;
	[tilespmem:$0x2C90] =	vst v62  }
0x5c: {  	[tilespmem:$0x2D10] =	vst v3  }
0x5d: {  	v3 =	vadd.s32 $0xFFFFFFFF, v62;
	[tilespmem:v15+s19+$0x0] =	vst.idx.msk vm3, v9  }
0x5e: {  	[tilespmem:v15+s20+$0x0] =	vst.idx.msk vm3, v3  }
0x5f: {  	v3 =	vld [tilespmem:$0x2820];
	_ =	sdelay $0x4  }
0x60: {  	v9 =	vld [tilespmem:$0x28A0];
	v3 =	vsel vm2, v1, v3  }
0x61: {  	vm15 =	vne.s32 v3, $0x0  }
0x62: {  	v11 =	vsel vm15, $0x1, v2  }
0x63: {  	v3 =	vadd.s32 v11, v3  }
0x64: {  	v11 =	vadd.s32 $0xF, v3  }
0x65: {  	v9 =	vsel vm2, s7, v9;
	v63 =	vshra.s32 v11, $0x4  }
0x66: {  	v9 =	vsub.s32 v63, v9  }
0x67: {  	vm2 =	vgt.s32 v9, $0x0  }
0x68: {  	v9 =	vsel vm2, $0x1, v2  }
0x69: {  	(xrf0) =	vadd.scan.msk.s32 $0xffff, v9;
	_ =	sdelay $0x1  }
0x6a: {  	v9 =	vmpcnt.ones.xlane vm3;
	_ =	sdelay $0x3  }
0x6b: {  	v5 =	vadd.s32 v5, v9;
	v9, _, _ =	vpop (xrf0)  }
0x6c: {  	v9 =	vadd.s32 v9, v5  }
0x6d: {  	v9 =	vadd.s32 $0xFFFFFFFF, v9  }
0x6e: {  	v9 =	vnsel vm2, $0x0, v9;
	_ =	sdelay $0x1  }
0x6f: {  	[tilespmem:$0x2C20] =	vst v3;
	v11 =	vand.u32 $0xF, v11;
	vm3 =	veq.s32 v3, $0x0  }
0x70: {  	[tilespmem:$0x2CA0] =	vst v63;
	v3 =	vsel vm3, $0x0, v11  }
0x71: {  	[tilespmem:$0x2D20] =	vst v3  }
0x72: {  	v3 =	vadd.s32 $0xFFFFFFFF, v63;
	[tilespmem:v9+s19+$0x0] =	vst.idx.msk vm2, v12  }
0x73: {  	[tilespmem:v9+s20+$0x0] =	vst.idx.msk vm2, v3  }
0x74: {  	v3 =	vld [tilespmem:$0x2830];
	_ =	sdelay $0x4  }
0x75: {  	v1 =	vsel vm1, v1, v3;
	v3 =	vld [tilespmem:$0x28B0]  }
0x76: {  	vm3 =	vne.s32 v1, $0x0  }
0x77: {  	v9 =	vsel vm3, $0x1, v2  }
0x78: {  	v1 =	vadd.s32 v9, v1  }
0x79: {  	v9 =	vadd.s32 $0xF, v1  }
0x7a: {  	v11 =	vshra.s32 v9, $0x4;
	v3 =	vsel vm1, s7, v3  }
0x7b: {  	v3 =	vsub.s32 v11, v3  }
0x7c: {  	vm1 =	vgt.s32 v3, $0x0  }
0x7d: {  	(v2sf) =	vpush v6, $0xF;
	v3 =	vsel vm1, $0x1, v2  }
0x7e: {  	(v2sf) =	vpush v7, $0xF;
	(xrf0) =	vadd.scan.msk.s32 $0xffff, v3;
	_ =	sdelay $0x1  }
0x7f: {  	(v2sf) =	vpush v8, $0xF;
	v3 =	vmpcnt.ones.xlane vm2;
	_ =	sdelay $0x1  }
0x80: {  	(v2sf) =	vpush v10, $0xF;
	_ =	sdelay $0x1  }
0x81: {  	v5 =	vadd.s32 v5, v3;
	v3, _, _ =	vpop (xrf0)  }
0x82: {  	v3 =	vadd.s32 v3, v5  }
0x83: {  	v3 =	vadd.s32 $0xFFFFFFFF, v3  }
0x84: {  	v3 =	vnsel vm1, $0x0, v3;
	_ =	sdelay $0x1  }
0x85: {  	[tilespmem:$0x2C30] =	vst v1;
	v6 =	vand.u32 $0xF, v9;
	vm2 =	veq.s32 v1, $0x0  }
0x86: {  	[tilespmem:$0x2CB0] =	vst v11;
	v1 =	vsel vm2, $0x0, v6  }
0x87: {  	[tilespmem:$0x2D30] =	vst v1  }
0x88: {  	s21 =	spop (v2sf);
	v1 =	vadd.s32 $0xFFFFFFFF, v11;
	[tilespmem:v3+s19+$0x0] =	vst.idx.msk vm1, v13  }
0x89: {  	s22 =	simm.s32 $0x2C00;
	s23 =	spop (v2sf);
	[tilespmem:v3+s20+$0x0] =	vst.idx.msk vm1, v1  }
0x8a: {  	[hbm4b:s10+s4] =	stream.linear.scatter [tilespmem:s22], [sflag:$0x3], $0x80, $0x38;
	[tilespmem:$0x2D80] =	vst v63  }
0x8b: {  	s24 =	simm.s32 $0x2C80;
	s25 =	spop (v2sf)  }
0x8c: {  	[hbm4b:s9+s4] =	stream.linear.scatter [tilespmem:s24], [sflag:$0x4], $0x80, $0x38;
	[tilespmem:$0x2D80] =	vst v63  }
0x8d: {  	s26 =	simm.s32 $0x2D00;
	s29 =	simm.s32 $0x1;
	s28 =	spop (v2sf)  }
0x8e: {  	[hbm4b:s8+s4] =	stream.linear.scatter [tilespmem:s26], [sflag:$0x6], $0x80, $0x38;
	[tilespmem:$0x2D80] =	vst v63  }
0x8f: {  	v9 =	vor.u32 s4, v4;
	v3 =	vshll.u32 v0, $0x7;
	_ =	swait.ge [sflag:s29], $0x800  }
0x90: {  	v8 =	vadd.s32 v3, v9;
	[sflag:s29] =	ssyncset.done $0x0  }
0x91: {  	s30 =	simm.s32 $0x2;
	[sflag:s29] =	ssyncadd.s32 $0xFFFFF800  }
0x92: {  	_ =	swait.ge [sflag:s30], $0x2000  }
0x93: {  	[sflag:s30] =	ssyncset.done $0x0  }
0x94: {  	[sflag:s30] =	ssyncadd.s32 $0xFFFFE000  }
0x95: {  	s10 =	sadd.s32 s23, s21;
	v10 =	vld.idx.msk [tilespmem:v8+s5+$0x0], $0xffff  }
0x96: {  	s9 =	sadd.s32 s25, s10  }
0x97: {  	s8 =	sadd.s32 s28, s9  }
0x98: {  	v7 =	vmov s8  }
0x99: {  	v6 =	vmpcnt.ones.xlane vm1;
	vm1 =	vlt.s32 v9, v7  }
0x9a: {  	s31 =	simm.s32 $0x10;
	v11 =	vnsel vm1, $0x0, v10  }
0x9b: {  	v9 =	vor.u32 s31, v4  }
0x9c: {  	v1 =	vmov s7;
	s8 =	simm.s32 $0x20;
	v10 =	vadd.s32 v3, v9  }
.LBB2_2:
0x9d: {  	p1 =	seq.s32 s8, $0x70;
	_ =	sdelay $0x1  }
0x9e: {  	[tilespmem:v11+s4+$0x0] =	vst.idx.msk vm1, v2  }
0x9f: {  	[tilespmem:v8+s5+$0x0] =	vst.idx.msk $0xffff, v2;
	v8 =	vmov v10  }
0xa0: {  	v10 =	vld.idx.msk [tilespmem:v10+s5+$0x0], $0xffff;
	_ =	sdelay $0x3  }
.Ltmp1:
0xa1: {  	(pc) =	sbr.rel @!p1 .LBB2_2-.Ltmp1, $4  }
0xa2: {  	vm1 =	vlt.s32 v9, v7  }
0xa3: {  	v11 =	vnsel vm1, $0x0, v10  }
0xa4: {  	v9 =	vor.u32 s8, v4  }
0xa5: {  	s8 =	sadd.s32 $0x10, s8;
	v10 =	vadd.s32 v3, v9  }
0xa6: {  	_ =	sdelay $0x4  }
0xa7: {  	[tilespmem:v11+s4+$0x0] =	vst.idx.msk vm1, v2  }
0xa8: {  	[tilespmem:v8+s5+$0x0] =	vst.idx.msk $0xffff, v2  }
0xa9: {  	v4 =	vld.idx.msk [tilespmem:v10+s5+$0x0], $0xffff;
	_ =	sdelay $0x3  }
0xaa: {  	vm1 =	vlt.s32 v9, v7  }
0xab: {  	v4 =	vnsel vm1, $0x0, v4;
	_ =	sdelay $0x4  }
0xac: {  	[tilespmem:v4+s4+$0x0] =	vst.idx.msk vm1, v2  }
0xad: {  	[tilespmem:v10+s5+$0x0] =	vst.idx.msk $0xffff, v2;
	v2 =	vadd.s32 v5, v6  }
0xae: {  	v4 =	vnsel vm0, $0x0, v2  }
0xaf: {  	(xrf0) =	vadd.scan.msk.s32 $0xffff, v4;
	_ =	sdelay $0x5  }
0xb0: {  	v4, _, _ =	vpop (xrf0)  }
0xb1: {  	(v2sf) =	vpush v4, $0xF;
	_ =	sdelay $0xe  }
0xb2: {  	s31 =	spop (v2sf)  }
0xb3: {  	s4 =	sadd.s32 s7, s31  }
0xb4: {  	p1 =	sge.s32 s6, s4  }
.Ltmp2:
0xb5: {  	_ = 	snop;
	(pc) =	sbr.rel @p1 .LBB2_6-.Ltmp2, $1  }
0xb6: {  	_ =	sdelay $0x3  }
0xb7: {  	v4 =	vadd.s32 v1, v2;
	s8 =	simm.s32 $0x0  }
0xb8: {  	v5 =	vimm.s32 $0x0;
	s5 =	simm.s32 $0x40;
	v6 =	vlaneseq.u32;
	s6 =	simm.s32 $0x2A00;
	s7 =	simm.s32 $0x0;
	v7 =	vimm.s32 $0x0  }
.LBB2_5:
0xb9: {  	v8 =	vld [tilespmem:s5+$0xFFFFFFC0];
	_ =	sdelay $0x3  }
0xba: {  	v9 =	vmov s7  }
0xbb: {  	vm2 =	vne.s32 v9, v6;
	vm1 =	veq.s32 v8, $0x0  }
0xbc: {  	vm1 =	vmand vm2, vm1  }
0xbd: {  	v34 =	vsel vm1, $0x1, v5  }
0xbe: {  	(xrf0) =	vadd.scan.msk.s32 $0xffff, v34;
	_ =	sdelay $0x5  }
0xbf: {  	v9, _, _ =	vpop (xrf0)  }
0xc0: {  	v9 =	vadd.s32 v7, v9  }
0xc1: {  	vm2 =	vle.s32 v9, v4  }
0xc2: {  	v9 =	vadd.s32 $0xFFFFFFFF, v9;
	vm2 =	vmand vm1, vm2  }
0xc3: {  	v9 =	vnsel vm2, $0x0, v9;
	_ =	sdelay $0x3  }
0xc4: {  	v10 =	vor.u32 s7, v6  }
0xc5: {  	v8 =	vsel vm2, $0x1, v8;
	[tilespmem:v9+s6+$0x0] =	vst.idx.msk vm2, v10  }
0xc6: {  	[tilespmem:s5+$0xFFFFFFC0] =	vst v8;
	v8 =	vld [tilespmem:s5+$0xFFFFFFD0];
	_ =	sdelay $0x4  }
0xc7: {  	vm2 =	veq.s32 v8, $0x0  }
0xc8: {  	v35 =	vsel vm2, $0x1, v5  }
0xc9: {  	(xrf0) =	vadd.scan.msk.s32 $0xffff, v35;
	_ =	sdelay $0x3  }
0xca: {  	v36 =	vmpcnt.ones.xlane vm1;
	_ =	sdelay $0x1  }
0xcb: {  	v7 =	vadd.s32 v7, v36;
	v37, _, _ =	vpop (xrf0)  }
0xcc: {  	v9 =	vadd.s32 v7, v37  }
0xcd: {  	vm1 =	vle.s32 v9, v4  }
0xce: {  	v9 =	vadd.s32 $0xFFFFFFFF, v9;
	vm1 =	vmand vm2, vm1  }
0xcf: {  	v9 =	vnsel vm1, $0x0, v9;
	_ =	sdelay $0x2  }
0xd0: {  	s9 =	sadd.s32 $0x10, s7  }
0xd1: {  	v38 =	vor.u32 s9, v6  }
0xd2: {  	v8 =	vsel vm1, $0x1, v8;
	[tilespmem:v9+s6+$0x0] =	vst.idx.msk vm1, v38  }
0xd3: {  	[tilespmem:s5+$0xFFFFFFD0] =	vst v8;
	v8 =	vld [tilespmem:s5+$0xFFFFFFE0];
	_ =	sdelay $0x4  }
0xd4: {  	vm1 =	veq.s32 v8, $0x0  }
0xd5: {  	v39 =	vsel vm1, $0x1, v5  }
0xd6: {  	(xrf0) =	vadd.scan.msk.s32 $0xffff, v39;
	_ =	sdelay $0x3  }
0xd7: {  	v40 =	vmpcnt.ones.xlane vm2;
	_ =	sdelay $0x1  }
0xd8: {  	v7 =	vadd.s32 v7, v40;
	v41, _, _ =	vpop (xrf0)  }
0xd9: {  	v9 =	vadd.s32 v7, v41  }
0xda: {  	vm2 =	vle.s32 v9, v4  }
0xdb: {  	v9 =	vadd.s32 $0xFFFFFFFF, v9;
	vm2 =	vmand vm1, vm2  }
0xdc: {  	v9 =	vnsel vm2, $0x0, v9;
	_ =	sdelay $0x2  }
0xdd: {  	s25 =	sadd.s32 $0x20, s7  }
0xde: {  	v42 =	vor.u32 s25, v6  }
0xdf: {  	v8 =	vsel vm2, $0x1, v8;
	[tilespmem:v9+s6+$0x0] =	vst.idx.msk vm2, v42  }
0xe0: {  	[tilespmem:s5+$0xFFFFFFE0] =	vst v8;
	v8 =	vld [tilespmem:s5+$0xFFFFFFF0];
	_ =	sdelay $0x4  }
0xe1: {  	vm2 =	veq.s32 v8, $0x0  }
0xe2: {  	v43 =	vsel vm2, $0x1, v5  }
0xe3: {  	(xrf0) =	vadd.scan.msk.s32 $0xffff, v43;
	_ =	sdelay $0x3  }
0xe4: {  	v44 =	vmpcnt.ones.xlane vm1;
	_ =	sdelay $0x1  }
0xe5: {  	v7 =	vadd.s32 v7, v44;
	v45, _, _ =	vpop (xrf0)  }
0xe6: {  	v9 =	vadd.s32 v7, v45  }
0xe7: {  	vm1 =	vle.s32 v9, v4  }
0xe8: {  	v9 =	vadd.s32 $0xFFFFFFFF, v9;
	vm1 =	vmand vm2, vm1  }
0xe9: {  	v9 =	vnsel vm1, $0x0, v9;
	_ =	sdelay $0x2  }
0xea: {  	s26 =	sadd.s32 $0x30, s7  }
0xeb: {  	v46 =	vor.u32 s26, v6  }
0xec: {  	v8 =	vsel vm1, $0x1, v8;
	[tilespmem:v9+s6+$0x0] =	vst.idx.msk vm1, v46  }
0xed: {  	[tilespmem:s5+$0xFFFFFFF0] =	vst v8;
	v8 =	vld [tilespmem:s5+$0x0];
	_ =	sdelay $0x4  }
0xee: {  	vm1 =	veq.s32 v8, $0x0  }
0xef: {  	v47 =	vsel vm1, $0x1, v5  }
0xf0: {  	(xrf0) =	vadd.scan.msk.s32 $0xffff, v47;
	_ =	sdelay $0x3  }
0xf1: {  	v48 =	vmpcnt.ones.xlane vm2;
	_ =	sdelay $0x1  }
0xf2: {  	v7 =	vadd.s32 v7, v48;
	v49, _, _ =	vpop (xrf0)  }
0xf3: {  	v9 =	vadd.s32 v7, v49  }
0xf4: {  	vm2 =	vle.s32 v9, v4  }
0xf5: {  	v9 =	vadd.s32 $0xFFFFFFFF, v9;
	vm2 =	vmand vm1, vm2  }
0xf6: {  	v9 =	vnsel vm2, $0x0, v9;
	_ =	sdelay $0x2  }
0xf7: {  	s28 =	sadd.s32 $0x40, s7  }
0xf8: {  	v50 =	vor.u32 s28, v6  }
0xf9: {  	v8 =	vsel vm2, $0x1, v8;
	[tilespmem:v9+s6+$0x0] =	vst.idx.msk vm2, v50  }
0xfa: {  	[tilespmem:s5+$0x0] =	vst v8;
	v8 =	vld [tilespmem:s5+$0x10];
	_ =	sdelay $0x4  }
0xfb: {  	vm2 =	veq.s32 v8, $0x0  }
0xfc: {  	v51 =	vsel vm2, $0x1, v5  }
0xfd: {  	(xrf0) =	vadd.scan.msk.s32 $0xffff, v51;
	_ =	sdelay $0x3  }
0xfe: {  	v52 =	vmpcnt.ones.xlane vm1;
	_ =	sdelay $0x1  }
0xff: {  	v7 =	vadd.s32 v7, v52;
	v53, _, _ =	vpop (xrf0)  }
0x100: {  	v9 =	vadd.s32 v7, v53  }
0x101: {  	vm1 =	vle.s32 v9, v4  }
0x102: {  	v9 =	vadd.s32 $0xFFFFFFFF, v9;
	vm1 =	vmand vm2, vm1  }
0x103: {  	v9 =	vnsel vm1, $0x0, v9;
	_ =	sdelay $0x2  }
0x104: {  	s29 =	sadd.s32 $0x50, s7  }
0x105: {  	v54 =	vor.u32 s29, v6  }
0x106: {  	v8 =	vsel vm1, $0x1, v8;
	[tilespmem:v9+s6+$0x0] =	vst.idx.msk vm1, v54  }
0x107: {  	[tilespmem:s5+$0x10] =	vst v8;
	v8 =	vld [tilespmem:s5+$0x20];
	_ =	sdelay $0x4  }
0x108: {  	vm1 =	veq.s32 v8, $0x0  }
0x109: {  	v55 =	vsel vm1, $0x1, v5  }
0x10a: {  	(xrf0) =	vadd.scan.msk.s32 $0xffff, v55;
	_ =	sdelay $0x3  }
0x10b: {  	v56 =	vmpcnt.ones.xlane vm2;
	_ =	sdelay $0x1  }
0x10c: {  	v7 =	vadd.s32 v7, v56;
	v57, _, _ =	vpop (xrf0)  }
0x10d: {  	v9 =	vadd.s32 v7, v57  }
0x10e: {  	vm2 =	vle.s32 v9, v4  }
0x10f: {  	v9 =	vadd.s32 $0xFFFFFFFF, v9;
	vm2 =	vmand vm1, vm2  }
0x110: {  	v9 =	vnsel vm2, $0x0, v9;
	_ =	sdelay $0x2  }
0x111: {  	s30 =	sadd.s32 $0x60, s7  }
0x112: {  	v58 =	vor.u32 s30, v6  }
0x113: {  	v8 =	vsel vm2, $0x1, v8;
	[tilespmem:v9+s6+$0x0] =	vst.idx.msk vm2, v58  }
0x114: {  	[tilespmem:s5+$0x20] =	vst v8;
	v8 =	vld [tilespmem:s5+$0x30];
	_ =	sdelay $0x4  }
0x115: {  	v59 =	vmpcnt.ones.xlane vm1;
	vm1 =	veq.s32 v8, $0x0  }
0x116: {  	v60 =	vmpcnt.ones.xlane vm1  }
0x117: {  	v9 =	vadd.s32 v7, v59  }
0x118: {  	v11 =	vsel vm1, $0x1, v5;
	v7 =	vadd.s32 v9, v60  }
0x119: {  	(xrf0) =	vadd.scan.msk.s32 $0xffff, v11;
	v10 =	vnsel vm0, $0x0, v7  }
0x11a: {  	(xrf0) =	vadd.scan.msk.s32 $0xffff, v10;
	_ =	sdelay $0x4  }
0x11b: {  	v61, _, _ =	vpop (xrf0)  }
0x11c: {  	v62, _, _ =	vpop (xrf0)  }
0x11d: {  	(v2sf) =	vpush v62, $0xF;
	_ =	sdelay $0xc  }
0x11e: {  	v9 =	vadd.s32 v9, v61  }
0x11f: {  	vm2 =	vle.s32 v9, v4  }
0x120: {  	p1 =	sgt.u32 s8, $0xE;
	v9 =	vadd.s32 $0xFFFFFFFF, v9;
	vm1 =	vmand vm1, vm2;
	s9 =	spop (v2sf)  }
0x121: {  	v9 =	vnsel vm1, $0x0, v9;
	p2 =	slt.s32 @!p1 s9, s4  }
0x122: {  	p1 =	por p1, !p2  }
.Ltmp3:
0x123: {  	_ = 	snop;
	(pc) =	sbr.rel @!p1 .LBB2_5-.Ltmp3, $4  }
0x124: {  	s31 =	sadd.s32 $0x70, s7  }
0x125: {  	v63 =	vor.u32 s31, v6  }
0x126: {  	v8 =	vsel vm1, $0x1, v8;
	[tilespmem:v9+s6+$0x0] =	vst.idx.msk vm1, v63  }
0x127: {  	s8 =	sadd.s32 $0x1, s8;
	s7 =	sadd.s32 $0x80, s7;
	[tilespmem:s5+$0x30] =	vst v8;
	s5 =	sadd.s32 $0x80, s5  }
.LBB2_6:
0x128: {  	s4 =	simm.s32 $0x0;
	v5 =	vlaneseq.u32  }
0x129: {  	v4 =	vor.u32 s4, v5  }
0x12a: {  	vm0 =	vlt.s32 v4, v1  }
0x12b: {  	v7 =	vnsel vm0, $0x0, v4;
	_ =	sdelay $0x2  }
0x12c: {  	[hbm4b:s3+s4] =	stream.linear.scatter [tilespmem:s4], [sflag:$0x1], $0x800, $0x38;
	[tilespmem:$0x2D80] =	vst v63  }
0x12d: {  	s5 =	simm.s32 $0x10;
	s4 =	simm.s32 $0x2A00  }
0x12e: {  	s3 =	simm.s32 $0x800;
	v6 =	vor.u32 s5, v5;
	s5 =	simm.s32 $0x20;
	vm0 =	vmmov vm0;
	v7 =	vld.idx.msk [tilespmem:v7+s4+$0x0], $0xffff  }
.LBB2_7:
0x12f: {  	p1 =	sne.s32 s5, $0x70;
	vm1 =	vlt.s32 v6, v1;
	v8 =	vadd.s32 v3, v4;
	v4 =	vmov v6  }
0x130: {  	v9 =	vnsel vm1, $0x0, v4  }
.Ltmp4:
0x131: {  	(pc) =	sbr.rel @p1 .LBB2_7-.Ltmp4, $3  }
0x132: {  	_ =	sdelay $0x1  }
0x133: {  	[tilespmem:v8+s3+$0x0] =	vst.idx.msk vm0, v7;
	vm0 =	vmmov vm1  }
0x134: {  	v6 =	vor.u32 s5, v5;
	s5 =	sadd.s32 $0x10, s5;
	v7 =	vld.idx.msk [tilespmem:v9+s4+$0x0], $0xffff  }
0x135: {  	vm1 =	vlt.s32 v6, v1;
	v4 =	vadd.s32 v3, v4  }
0x136: {  	v5 =	vnsel vm1, $0x0, v6;
	_ =	sdelay $0x3  }
0x137: {  	vm9 =	vmmov vm1;
	[tilespmem:v4+s3+$0x0] =	vst.idx.msk vm0, v7  }
0x138: {  	v43 =	vadd.s32 v3, v6;
	v4 =	vld.idx.msk [tilespmem:v5+s4+$0x0], $0xffff;
	_ =	sdelay $0x1  }
0x139: {  	v44 =	vadd.s32 $0xFFFFFFFF, v1  }
0x13a: {  	vm10 =	vgt.s32 v44, $0x0  }
0x13b: {  	v5 =	vnsel vm10, $0x0, v44  }
0x13c: {  	s23 =	simm.s32 $0x5;
	[tilespmem:v43+s3+$0x0] =	vst.idx.msk vm9, v4  }
0x13d: {  	_ =	swait.ge [sflag:s23], $0x80  }
0x13e: {  	[sflag:s23] =	ssyncset.done $0x0  }
0x13f: {  	s24 =	simm.s32 $0x2A00;
	[sflag:s23] =	ssyncadd.s32 $0xFFFFFF80  }
0x140: {  	v46 =	vlaneseq.u32;
	v45 =	vld.idx.msk [tilespmem:v5+s24+$0x0], $0xffff  }
0x141: {  	vm11 =	vgt.s32 v2, v46  }
0x142: {  	v47 =	vnsel vm11, $0x0, v46;
	_ =	sdelay $0x1  }
0x143: {  	vm12 =	vgt.s32 v1, $0x0  }
0x144: {  	s5 =	simm.s32 $0x2900;
	v3 =	vnsel vm12, $0x0, v45  }
0x145: {  	s6 =	simm.s32 $0x2B00;
	[tilespmem:v0+s5+$0x0] =	vst.idx.msk $0x1, v3  }
0x146: {  	s7 =	simm.s32 $0x2B80;
	v0 =	vld.idx.msk [tilespmem:v47+s6+$0x0], $0xffff  }
0x147: {  	v3 =	vld.idx.msk [tilespmem:v47+s7+$0x0], $0xffff  }
0x148: {  	v48 =	vadd.s32 v46, v1  }
0x149: {  	v5 =	vnsel vm11, $0x0, v48;
	_ =	sdelay $0x2  }
0x14a: {  	v49 =	vand.u32 $0xFFFFFF80, v3;
	v50 =	vshll.u32 v0, $0x7  }
0x14b: {  	v3 =	vand.u32 $0x7F, v3;
	v6 =	vadd.s32 v50, v49  }
0x14c: {  	v51 =	vor.u32 $0x10, v46;
	v5 =	vld.idx.msk [tilespmem:v5+s24+$0x0], $0xffff;
	v3 =	vor.u32 v3, v6  }
0x14d: {  	vm13 =	vgt.s32 v2, v51  }
0x14e: {  	v52 =	vnsel vm13, $0x0, v51;
	_ =	sdelay $0x1  }
0x14f: {  	s8 =	simm.s32 $0x800  }
0x150: {  	[tilespmem:v3+s8+$0x0] =	vst.idx.msk vm11, v5  }
0x151: {  	[tilespmem:v0+s5+$0x0] =	vst.idx.msk vm11, v5  }
0x152: {  	v0 =	vld.idx.msk [tilespmem:v52+s6+$0x0], $0xffff  }
0x153: {  	v3 =	vld.idx.msk [tilespmem:v52+s7+$0x0], $0xffff  }
0x154: {  	v53 =	vadd.s32 v51, v1  }
0x155: {  	v5 =	vnsel vm13, $0x0, v53;
	_ =	sdelay $0x2  }
0x156: {  	v54 =	vand.u32 $0xFFFFFF80, v3;
	v55 =	vshll.u32 v0, $0x7  }
0x157: {  	v3 =	vand.u32 $0x7F, v3;
	v6 =	vadd.s32 v55, v54  }
0x158: {  	v56 =	vor.u32 $0x20, v46;
	v5 =	vld.idx.msk [tilespmem:v5+s24+$0x0], $0xffff;
	v3 =	vor.u32 v3, v6  }
0x159: {  	vm14 =	vgt.s32 v2, v56  }
0x15a: {  	v57 =	vnsel vm14, $0x0, v56;
	_ =	sdelay $0x2  }
0x15b: {  	[tilespmem:v3+s8+$0x0] =	vst.idx.msk vm13, v5  }
0x15c: {  	[tilespmem:v0+s5+$0x0] =	vst.idx.msk vm13, v5  }
0x15d: {  	v0 =	vld.idx.msk [tilespmem:v57+s6+$0x0], $0xffff  }
0x15e: {  	v3 =	vld.idx.msk [tilespmem:v57+s7+$0x0], $0xffff  }
0x15f: {  	v58 =	vadd.s32 v56, v1  }
0x160: {  	v5 =	vnsel vm14, $0x0, v58;
	_ =	sdelay $0x2  }
0x161: {  	v59 =	vand.u32 $0xFFFFFF80, v3;
	v60 =	vshll.u32 v0, $0x7  }
0x162: {  	v3 =	vand.u32 $0x7F, v3;
	v6 =	vadd.s32 v60, v59  }
0x163: {  	v4 =	vor.u32 $0x30, v46;
	v5 =	vld.idx.msk [tilespmem:v5+s24+$0x0], $0xffff;
	v3 =	vor.u32 v3, v6  }
0x164: {  	vm15 =	vgt.s32 v2, v4  }
0x165: {  	v2 =	vnsel vm15, $0x0, v4;
	_ =	sdelay $0x2  }
0x166: {  	[tilespmem:v3+s8+$0x0] =	vst.idx.msk vm14, v5  }
0x167: {  	[tilespmem:v0+s5+$0x0] =	vst.idx.msk vm14, v5  }
0x168: {  	v0 =	vld.idx.msk [tilespmem:v2+s6+$0x0], $0xffff  }
0x169: {  	v2 =	vld.idx.msk [tilespmem:v2+s7+$0x0], $0xffff  }
0x16a: {  	v61 =	vadd.s32 v4, v1  }
0x16b: {  	v1 =	vnsel vm15, $0x0, v61;
	_ =	sdelay $0x2  }
0x16c: {  	v62 =	vand.u32 $0xFFFFFF80, v2;
	v63 =	vshll.u32 v0, $0x7  }
0x16d: {  	v2 =	vand.u32 $0x7F, v2;
	v3 =	vadd.s32 v63, v62  }
0x16e: {  	v1 =	vld.idx.msk [tilespmem:v1+s24+$0x0], $0xffff;
	v2 =	vor.u32 v2, v3;
	_ =	sdelay $0x4  }
0x16f: {  	[tilespmem:v2+s8+$0x0] =	vst.idx.msk vm15, v1  }
0x170: {  	s25 =	simm.s32 $0x0;
	[tilespmem:v0+s5+$0x0] =	vst.idx.msk vm15, v1  }
0x171: {  	[hbm4b:s1+s25] =	stream.linear.scatter [tilespmem:s8], [sflag:$0x2], $0x2000, $0x38;
	[tilespmem:$0x2D80] =	vst v63  }
0x172: {  	s26 =	simm.s32 $0x3  }
0x173: {  	[hbm4b:s2+s25] =	stream.linear.scatter [tilespmem:s5], [sflag:$0x5], $0x80, $0x38;
	[tilespmem:$0x2D80] =	vst v63  }
0x174: {  	_ =	swait.ge [sflag:s26], $0x80  }
0x175: {  	[sflag:s26] =	ssyncset.done $0x0  }
0x176: {  	s28 =	simm.s32 $0x4;
	[sflag:s26] =	ssyncadd.s32 $0xFFFFFF80  }
0x177: {  	_ =	swait.ge [sflag:s28], $0x80  }
0x178: {  	[sflag:s28] =	ssyncset.done $0x0  }
0x179: {  	s29 =	simm.s32 $0x6;
	[sflag:s28] =	ssyncadd.s32 $0xFFFFFF80  }
0x17a: {  	_ =	swait.ge [sflag:s29], $0x80  }
0x17b: {  	[sflag:s29] =	ssyncset.done $0x0  }
0x17c: {  	s30 =	simm.s32 $0x1;
	[sflag:s29] =	ssyncadd.s32 $0xFFFFFF80  }
0x17d: {  	_ =	swait.ge [sflag:s30], $0x800  }
0x17e: {  	[sflag:s30] =	ssyncset.done $0x0  }
0x17f: {  	s31 =	simm.s32 $0x2;
	[sflag:s30] =	ssyncadd.s32 $0xFFFFF800  }
0x180: {  	_ =	swait.ge [sflag:s31], $0x2000  }
0x181: {  	[sflag:s31] =	ssyncset.done $0x0  }
0x182: {  	[sflag:s31] =	ssyncadd.s32 $0xFFFFE000  }
0x183: {  	_ =	swait.ge [sflag:s23], $0x80  }
0x184: {  	[sflag:s23] =	ssyncset.done $0x0  }
0x185: {  	[sflag:s23] =	ssyncadd.s32 $0xFFFFFF80  }
.LBB2_9:
0x186: {  	_ =	sfence.sel $0x180000  }
0x187: {  	[bflag:$0x0] =	sbarrier.arrive $0xFFFF  }
0x188: {  	_ =	strace $0x90000047  }
0x189: {  	s0 =	sadd.s32 @!p0 $0x100000, s0;
	[bflag:$0x2] =	sbarrier.arrive $0xFFFF  }
0x18a: {  	[sflag:s0] =	ssyncadd.tile.s32 @!p0 $0x1;
	_ =	shalt  }
.Lfunc_end2:
_tile_overlayer_lowered:
.L_overlay_start_2:
0x18b: {  	(tag) =	ssettag $0x2  }
0x18c: {  	s0 =	rddreg [dreg:$0x0];
	s2 =	stileid.u32  }
0x18d: {  	s1 =	rddreg [dreg:$0x1];
	p0 =	sne.s32 s2, $0x0  }
0x18e: {  	s3 =	rddreg [dreg:$0x2];
	[bflag:$0x3] =	sbarrier.arrive $0xFFFF;
	s2 =	simm.s32 @!p0 $0x1C07  }
0x18f: {  	[timem:s3], [sflag:s2] =	dma.local @!p0 [hbm:s0], s1  }
0x190: {  	s0 =	simm.s32 @!p0 $0x7  }
0x191: {  	_ =	swait.ge @!p0 [sflag:s0], s1  }
0x192: {  	s1 =	ssub.s32 @!p0 $0x0, s1;
	[sflag:s0] =	ssyncset.done @!p0 $0x0  }
0x193: {  	[sflag:s0] =	ssyncadd.s32 @!p0 s1  }
0x194: {  	[bflag:$0x3] =	sbarrier.arrive $0xFFFF  }
0x195: {  	_ =	shalt  }

</sc_bundles>
